<compile_context>
chip_gen: v7x
topology: tpu7x:2x2x1
jax: 0.10.2.dev20260603
libtpu: 0.0.44.dev20260713+nightly
codegen_flags: <defaults>
</compile_context>

<pallas_src>
import functools

import jax
import jax.numpy as jnp
from jax import lax
from jax.experimental import pallas as pl
from jax.experimental.pallas import tpu as pltpu
from jax.experimental.pallas import tpu_sc as plsc

_N = 10000
_D = 128
_H = 128
_E = 320000
_EPS = 1e-5
_SLOPE = 0.01

_NC = 2
_NS = 16
_NW = _NC * _NS
_CHUNK = 128
_CPT = 79
_EPT = _CHUNK * _CPT
_EP = _EPT * _NW
_NPAD = 10112
_RPS = _NPAD // _NS
_PAD_DST = _N

_mesh = plsc.VectorSubcoreMesh(core_axis_name="c", subcore_axis_name="s")


def _agg_body(h_hbm, src_hbm, dst_hbm, z_hbm,
              agg_out, src_v, dst_v, rows_v, agg_sh, sem):
    c = lax.axis_index("c")
    s = lax.axis_index("s")
    w = c * _NS + s
    pltpu.sync_copy(z_hbm.at[pl.ds(s * _RPS, _RPS)], agg_sh.at[pl.ds(s * _RPS, _RPS)])
    pltpu.sync_copy(src_hbm.at[w], src_v)
    pltpu.sync_copy(dst_hbm.at[w], dst_v)
    plsc.subcore_barrier()

    def step(j, carry):
        pltpu.async_copy(h_hbm.at[src_v.at[j]], rows_v, sem).wait()
        pltpu.sync_copy(rows_v, agg_sh.at[dst_v.at[j]], add=True)
        return carry

    lax.fori_loop(0, _CPT, step, 0)
    plsc.subcore_barrier()
    pltpu.sync_copy(agg_sh.at[pl.ds(s * _RPS, _RPS)], agg_out.at[c, pl.ds(s * _RPS, _RPS)])


def _cnt_body(dst_hbm, z_hbm, ones_hbm,
              cnt_out, dst_v, ones_v, cnt_sh, sem):
    c = lax.axis_index("c")
    s = lax.axis_index("s")
    w = c * _NS + s
    pltpu.sync_copy(z_hbm.at[pl.ds(s * _RPS, _RPS)], cnt_sh.at[pl.ds(s * _RPS, _RPS)])
    pltpu.sync_copy(ones_hbm, ones_v)
    pltpu.sync_copy(dst_hbm.at[w], dst_v)
    plsc.subcore_barrier()

    def step(j, carry):
        pltpu.sync_copy(ones_v, cnt_sh.at[dst_v.at[j]], add=True)
        return carry

    lax.fori_loop(0, _CPT, step, 0)
    plsc.subcore_barrier()
    pltpu.sync_copy(cnt_sh.at[pl.ds(s * _RPS, _RPS)],
                    cnt_out.at[c, pl.ds(s * _RPS, _RPS)])


_cnt = functools.partial(
    pl.kernel,
    mesh=_mesh,
    out_type=jax.ShapeDtypeStruct((_NC, _NPAD, _D), jnp.float32),
    scratch_types=[
        pltpu.VMEM((_CPT, _CHUNK), jnp.int32),
        pltpu.VMEM((_CHUNK, _D), jnp.float32),
        pltpu.VMEM_SHARED((_NPAD, _D), jnp.float32),
        pltpu.SemaphoreType.DMA,
    ],
)(_cnt_body)

_agg = functools.partial(
    pl.kernel,
    mesh=_mesh,
    out_type=jax.ShapeDtypeStruct((_NC, _NPAD, _D), jnp.float32),
    scratch_types=[
        pltpu.VMEM((_CPT, _CHUNK), jnp.int32),
        pltpu.VMEM((_CPT, _CHUNK), jnp.int32),
        pltpu.VMEM((_CHUNK, _D), jnp.float32),
        pltpu.VMEM_SHARED((_NPAD, _D), jnp.float32),
        pltpu.SemaphoreType.DMA,
    ],
)(_agg_body)


def _dense_body(with_bn, aggp_ref, cntp_ref, h_ref, wl_ref, wr_ref, b_ref,
                gamma_ref, beta_ref, out_ref):
    agg = aggp_ref[0, : _N, :] + aggp_ref[1, : _N, :]
    cnt = cntp_ref[0, : _N, 0:1] + cntp_ref[1, : _N, 0:1]
    mean = agg / jnp.clip(cnt, 1.0, None)
    lin = (jnp.dot(mean, wl_ref[...], preferred_element_type=jnp.float32)
           + b_ref[...]
           + jnp.dot(h_ref[...], wr_ref[...], preferred_element_type=jnp.float32))
    if with_bn:
        m = jnp.mean(lin, axis=0, keepdims=True)
        v = jnp.mean((lin - m) ** 2, axis=0, keepdims=True)
        lin = gamma_ref[...] * (lin - m) / jnp.sqrt(v + _EPS) + beta_ref[...]
        lin = jnp.where(lin >= 0, lin, _SLOPE * lin)
    out_ref[...] = lin


def _dense(with_bn, aggp, cntp, h, wl, wr, b, gamma, beta):
    return pl.pallas_call(
        functools.partial(_dense_body, with_bn),
        out_shape=jax.ShapeDtypeStruct((_N, _H), jnp.float32),
    )(aggp, cntp, h, wl, wr, b.reshape(1, _H), gamma.reshape(1, _H),
      beta.reshape(1, _H))


def kernel(x, edge_index, Wl0, Wr0, b0, Wl1, Wr1, b1, Wl2, Wr2, b2,
           gamma0, beta0, gamma1, beta1):
    pad = _EP - _E
    src = jnp.concatenate([edge_index[0], jnp.zeros((pad,), jnp.int32)])
    dst = jnp.concatenate([edge_index[1], jnp.full((pad,), _PAD_DST, jnp.int32)])
    src = src.reshape(_NW, _CPT, _CHUNK)
    dst = dst.reshape(_NW, _CPT, _CHUNK)
    z = jnp.zeros((_NPAD, _D), jnp.float32)
    ones128 = jnp.ones((_CHUNK, _D), jnp.float32)

    cntp = _cnt(dst, z, ones128)
    aggp = _agg(x, src, dst, z)
    h1 = _dense(True, aggp, cntp, x, Wl0, Wr0, b0, gamma0, beta0)
    aggp = _agg(h1, src, dst, z)
    h2 = _dense(True, aggp, cntp, h1, Wl1, Wr1, b1, gamma1, beta1)
    aggp = _agg(h2, src, dst, z)
    one = jnp.ones((_H,), jnp.float32)
    zero = jnp.zeros((_H,), jnp.float32)
    return _dense(False, aggp, cntp, h2, Wl2, Wr2, b2, one, zero)

# --- scband reference (transcript-rebuilt; emitter-appended) ---
"""Pipeline reference for scband-model-29764123362039 (READ-ONLY COPY).

The authoritative reference and input builder live on the scoring server;
editing this copy changes nothing except your own understanding.
"""

import jax, jax.numpy as jnp
import numpy as np

N = 10000
E = 320000
D = 128
H = 128
EPS = 1e-5
SLOPE = 0.01


def setup_inputs(seed: int = 0) -> dict:
    key = jax.random.key(seed)
    ks = jax.random.split(key, 16)
    inp = {}
    inp['x'] = jax.random.normal(ks[0], (N, D), dtype=jnp.float32)
    inp['edge_index'] = jax.random.randint(ks[1], (2, E), 0, N, dtype=jnp.int32)
    # SAGEConv params per layer: Wl (neighbor lin, with bias), Wr (root lin, no bias)
    dims_in = [D, H, H]
    for l in range(3):
        s = 1.0 / np.sqrt(dims_in[l])
        inp[f'Wl{l}'] = jax.random.uniform(ks[2 + 4 * l], (dims_in[l], H), dtype=jnp.float32, minval=-s, maxval=s)
        inp[f'Wr{l}'] = jax.random.uniform(ks[3 + 4 * l], (dims_in[l], H), dtype=jnp.float32, minval=-s, maxval=s)
        inp[f'b{l}'] = jnp.zeros((H,), dtype=jnp.float32)
    # BatchNorm params for the first n_layers-1 = 2 inter-layer norms
    for l in range(2):
        inp[f'gamma{l}'] = jnp.ones((H,), dtype=jnp.float32)
        inp[f'beta{l}'] = jnp.zeros((H,), dtype=jnp.float32)
    return inp


def _sage_conv(x, edge_index, Wl, Wr, b):
    # PyG SAGEConv, aggr='mean': out = lin_l(mean_{j in N(i)} x_j) + lin_r(x_i)
    src = edge_index[0]
    dst = edge_index[1]
    msg = jnp.take(x, src, axis=0)
    agg = jax.ops.segment_sum(msg, dst, num_segments=N)
    cnt = jax.ops.segment_sum(jnp.ones((msg.shape[0],), dtype=x.dtype), dst, num_segments=N)
    agg = agg / jnp.clip(cnt, 1.0, None)[:, None]
    return agg @ Wl + b + x @ Wr


def _batch_norm(x, gamma, beta):
    m = jnp.mean(x, axis=0)
    v = jnp.var(x, axis=0)
    return gamma * (x - m) / jnp.sqrt(v + EPS) + beta


def _leaky_relu(x):
    return jnp.where(x >= 0, x, SLOPE * x)


def reference(x, edge_index, Wl0, Wr0, b0, Wl1, Wr1, b1, Wl2, Wr2, b2, gamma0, beta0, gamma1, beta1):
    h = _sage_conv(x, edge_index, Wl0, Wr0, b0)
    h = _batch_norm(h, gamma0, beta0)
    h = _leaky_relu(h)
    h = _sage_conv(h, edge_index, Wl1, Wr1, b1)
    h = _batch_norm(h, gamma1, beta1)
    h = _leaky_relu(h)
    h = _sage_conv(h, edge_index, Wl2, Wr2, b2)
    return h

if __name__ == "__main__":
    import jax
    _d = setup_inputs()
    print(jax.jit(kernel)(*tuple(_d.values())))

</pallas_src>

<mosaic_0001>
#map = affine_map<(d0, d1) -> (0, 0)>
#map1 = affine_map<(d0, d1) -> (0, 0, 0)>
module attributes {stable_mosaic.version = 14 : i64} {
  func.func @_agg_body(%arg0: i32, %arg1: i32, %arg2: memref<10000x128xf32, #tpu.memory_space<hbm>>, %arg3: memref<32x79x128xi32, #tpu.memory_space<hbm>>, %arg4: memref<32x79x128xi32, #tpu.memory_space<hbm>>, %arg5: memref<10112x128xf32, #tpu.memory_space<hbm>>, %arg6: memref<2x10112x128xf32, #tpu.memory_space<hbm>>, %arg7: memref<79x128xi32, #tpu.memory_space<vmem>>, %arg8: memref<79x128xi32, #tpu.memory_space<vmem>>, %arg9: memref<128x128xf32, #tpu.memory_space<vmem>>, %arg10: memref<10112x128xf32, #tpu.memory_space<vmem_shared>>, %arg11: memref<!tpu.dma_semaphore, #tpu.memory_space<semaphore_mem>>) attributes {dimension_semantics = [#tpu.dimension_semantics<core_parallel>, #tpu.dimension_semantics<subcore_parallel>], iteration_bounds = array<i64: 2, 16>, scalar_prefetch = 0 : i64, scratch_operands = 5 : i64, tpu.core_type = #tpu.core_type<sc_vector_subcore>, window_params = [{transform_indices = #map}, {transform_indices = #map1}, {transform_indices = #map1}, {transform_indices = #map}, {transform_indices = #map1}]} {
    %mul3A = arith.constant 16 : i32
    %mul3A_0 = arith.muli %arg0, %mul3A : i32
    %add3A = arith.addi %mul3A_0, %arg1 : i32
    %mul3A_1 = arith.constant 632 : i32
    %mul3A_2 = arith.muli %arg1, %mul3A_1 : i32
    %mul3A_3 = arith.constant 632 : i32
    %mul3A_4 = arith.muli %arg1, %mul3A_3 : i32
    "tpu.region"() ({
      %run_scoped3A = tpu.sem_alloc : memref<!tpu.dma_semaphore, #tpu.memory_space<semaphore_mem>>
      %dma_start3A = arith.constant 0 : i32
      %dma_start3A_15 = tpu.memref_slice %arg10[%mul3A_4, %dma_start3A] : memref<10112x128xf32, #tpu.memory_space<vmem_shared>> -> memref<632x128xf32, #tpu.memory_space<vmem_shared>>
      %dma_start3A_16 = arith.constant 0 : i32
      %dma_start3A_17 = tpu.memref_slice %arg5[%mul3A_2, %dma_start3A_16] : memref<10112x128xf32, #tpu.memory_space<hbm>> -> memref<632x128xf32, #tpu.memory_space<hbm>>
      tpu.enqueue_dma source(%dma_start3A_17 : memref<632x128xf32, #tpu.memory_space<hbm>>) target(%dma_start3A_15 : memref<632x128xf32, #tpu.memory_space<vmem_shared>>) target_semaphore(%run_scoped3A : memref<!tpu.dma_semaphore, #tpu.memory_space<semaphore_mem>>)
      %dma_wait3A = arith.constant 0 : i32
      %dma_wait3A_18 = tpu.memref_slice %arg10[%mul3A_4, %dma_wait3A] : memref<10112x128xf32, #tpu.memory_space<vmem_shared>> -> memref<632x128xf32, #tpu.memory_space<vmem_shared>>
      %dma_wait3A_19 = arith.constant 0 : i32
      %dma_wait3A_20 = tpu.memref_slice %arg5[%mul3A_2, %dma_wait3A_19] : memref<10112x128xf32, #tpu.memory_space<hbm>> -> memref<632x128xf32, #tpu.memory_space<hbm>>
      tpu.wait_dma2 semaphore(%run_scoped3A : memref<!tpu.dma_semaphore, #tpu.memory_space<semaphore_mem>>) src(%dma_wait3A_20 : memref<632x128xf32, #tpu.memory_space<hbm>>) dst(%dma_wait3A_18 : memref<632x128xf32, #tpu.memory_space<vmem_shared>>)
      tpu.yield
    }) : () -> ()
    "tpu.region"() ({
      %run_scoped3A = tpu.sem_alloc : memref<!tpu.dma_semaphore, #tpu.memory_space<semaphore_mem>>
      %dma_start3A = arith.constant 0 : i32
      %dma_start3A_15 = arith.constant 0 : i32
      %dma_start3A_16 = tpu.memref_slice %arg3[%add3A, %dma_start3A, %dma_start3A_15] : memref<32x79x128xi32, #tpu.memory_space<hbm>> -> memref<1x79x128xi32, #tpu.memory_space<hbm>>
      %dma_start3A_17 = tpu.memref_squeeze %dma_start3A_16 : memref<1x79x128xi32, #tpu.memory_space<hbm>> -> memref<79x128xi32, #tpu.memory_space<hbm>>
      %dma_start3A_18 = arith.constant 0 : i32
      %dma_start3A_19 = arith.constant 0 : i32
      %dma_start3A_20 = tpu.memref_slice %arg3[%add3A, %dma_start3A_18, %dma_start3A_19] : memref<32x79x128xi32, #tpu.memory_space<hbm>> -> memref<1x79x128xi32, #tpu.memory_space<hbm>>
      %dma_start3A_21 = tpu.memref_squeeze %dma_start3A_20 : memref<1x79x128xi32, #tpu.memory_space<hbm>> -> memref<79x128xi32, #tpu.memory_space<hbm>>
      tpu.enqueue_dma source(%dma_start3A_21 : memref<79x128xi32, #tpu.memory_space<hbm>>) target(%arg7 : memref<79x128xi32, #tpu.memory_space<vmem>>) target_semaphore(%run_scoped3A : memref<!tpu.dma_semaphore, #tpu.memory_space<semaphore_mem>>)
      %dma_wait3A = arith.constant 0 : i32
      %dma_wait3A_22 = arith.constant 0 : i32
      %dma_wait3A_23 = tpu.memref_slice %arg3[%add3A, %dma_wait3A, %dma_wait3A_22] : memref<32x79x128xi32, #tpu.memory_space<hbm>> -> memref<1x79x128xi32, #tpu.memory_space<hbm>>
      %dma_wait3A_24 = tpu.memref_squeeze %dma_wait3A_23 : memref<1x79x128xi32, #tpu.memory_space<hbm>> -> memref<79x128xi32, #tpu.memory_space<hbm>>
      %dma_wait3A_25 = arith.constant 0 : i32
      %dma_wait3A_26 = arith.constant 0 : i32
      %dma_wait3A_27 = tpu.memref_slice %arg3[%add3A, %dma_wait3A_25, %dma_wait3A_26] : memref<32x79x128xi32, #tpu.memory_space<hbm>> -> memref<1x79x128xi32, #tpu.memory_space<hbm>>
      %dma_wait3A_28 = tpu.memref_squeeze %dma_wait3A_27 : memref<1x79x128xi32, #tpu.memory_space<hbm>> -> memref<79x128xi32, #tpu.memory_space<hbm>>
      tpu.wait_dma2 semaphore(%run_scoped3A : memref<!tpu.dma_semaphore, #tpu.memory_space<semaphore_mem>>) src(%dma_wait3A_28 : memref<79x128xi32, #tpu.memory_space<hbm>>) dst(%arg7 : memref<79x128xi32, #tpu.memory_space<vmem>>)
      tpu.yield
    }) : () -> ()
    "tpu.region"() ({
      %run_scoped3A = tpu.sem_alloc : memref<!tpu.dma_semaphore, #tpu.memory_space<semaphore_mem>>
      %dma_start3A = arith.constant 0 : i32
      %dma_start3A_15 = arith.constant 0 : i32
      %dma_start3A_16 = tpu.memref_slice %arg4[%add3A, %dma_start3A, %dma_start3A_15] : memref<32x79x128xi32, #tpu.memory_space<hbm>> -> memref<1x79x128xi32, #tpu.memory_space<hbm>>
      %dma_start3A_17 = tpu.memref_squeeze %dma_start3A_16 : memref<1x79x128xi32, #tpu.memory_space<hbm>> -> memref<79x128xi32, #tpu.memory_space<hbm>>
      %dma_start3A_18 = arith.constant 0 : i32
      %dma_start3A_19 = arith.constant 0 : i32
      %dma_start3A_20 = tpu.memref_slice %arg4[%add3A, %dma_start3A_18, %dma_start3A_19] : memref<32x79x128xi32, #tpu.memory_space<hbm>> -> memref<1x79x128xi32, #tpu.memory_space<hbm>>
      %dma_start3A_21 = tpu.memref_squeeze %dma_start3A_20 : memref<1x79x128xi32, #tpu.memory_space<hbm>> -> memref<79x128xi32, #tpu.memory_space<hbm>>
      tpu.enqueue_dma source(%dma_start3A_21 : memref<79x128xi32, #tpu.memory_space<hbm>>) target(%arg8 : memref<79x128xi32, #tpu.memory_space<vmem>>) target_semaphore(%run_scoped3A : memref<!tpu.dma_semaphore, #tpu.memory_space<semaphore_mem>>)
      %dma_wait3A = arith.constant 0 : i32
      %dma_wait3A_22 = arith.constant 0 : i32
      %dma_wait3A_23 = tpu.memref_slice %arg4[%add3A, %dma_wait3A, %dma_wait3A_22] : memref<32x79x128xi32, #tpu.memory_space<hbm>> -> memref<1x79x128xi32, #tpu.memory_space<hbm>>
      %dma_wait3A_24 = tpu.memref_squeeze %dma_wait3A_23 : memref<1x79x128xi32, #tpu.memory_space<hbm>> -> memref<79x128xi32, #tpu.memory_space<hbm>>
      %dma_wait3A_25 = arith.constant 0 : i32
      %dma_wait3A_26 = arith.constant 0 : i32
      %dma_wait3A_27 = tpu.memref_slice %arg4[%add3A, %dma_wait3A_25, %dma_wait3A_26] : memref<32x79x128xi32, #tpu.memory_space<hbm>> -> memref<1x79x128xi32, #tpu.memory_space<hbm>>
      %dma_wait3A_28 = tpu.memref_squeeze %dma_wait3A_27 : memref<1x79x128xi32, #tpu.memory_space<hbm>> -> memref<79x128xi32, #tpu.memory_space<hbm>>
      tpu.wait_dma2 semaphore(%run_scoped3A : memref<!tpu.dma_semaphore, #tpu.memory_space<semaphore_mem>>) src(%dma_wait3A_28 : memref<79x128xi32, #tpu.memory_space<hbm>>) dst(%arg8 : memref<79x128xi32, #tpu.memory_space<vmem>>)
      tpu.yield
    }) : () -> ()
    %barrier3A = arith.constant 0 : index
    tpu.barrier barrier_id(%barrier3A)
    %scan3A = arith.constant 0 : i32
    %scan3A_5 = arith.constant 0 : i32
    %scan3A_6 = arith.constant 79 : i32
    %scan3A_7 = arith.addi %scan3A_5, %scan3A_6 : i32
    %scan3A_8 = arith.constant 1 : i32
    scf.for %scan3A_15 = %scan3A_5 to %scan3A_7 step %scan3A_8  : i32 {
      %dma_start3A = arith.constant 0 : i32
      %dma_start3A_16 = tpu.memref_slice %arg7[%scan3A_15, %dma_start3A] : memref<79x128xi32, #tpu.memory_space<vmem>> -> memref<1x128xi32, #tpu.memory_space<vmem>>
      %dma_start3A_17 = tpu.memref_squeeze %dma_start3A_16 : memref<1x128xi32, #tpu.memory_space<vmem>> -> memref<128xi32, #tpu.memory_space<vmem>>
      %dma_start3A_18 = arith.constant 0 : i32
      %dma_start3A_19 = arith.constant 0 : i32
      %dma_start3A_20 = tpu.memref_slice %arg2[%dma_start3A_18, %dma_start3A_19] : memref<10000x128xf32, #tpu.memory_space<hbm>> -> memref<10000x128xf32, #tpu.memory_space<hbm>>
      tpu.enqueue_indirect_dma source(%dma_start3A_20 : memref<10000x128xf32, #tpu.memory_space<hbm>>) target(%arg9 : memref<128x128xf32, #tpu.memory_space<vmem>>) offsets(%dma_start3A_17 : memref<128xi32, #tpu.memory_space<vmem>>) semaphore(%arg11 : memref<!tpu.dma_semaphore, #tpu.memory_space<semaphore_mem>>)
      %dma_wait3A = arith.constant 0 : i32
      %dma_wait3A_21 = tpu.memref_slice %arg7[%scan3A_15, %dma_wait3A] : memref<79x128xi32, #tpu.memory_space<vmem>> -> memref<1x128xi32, #tpu.memory_space<vmem>>
      %dma_wait3A_22 = tpu.memref_squeeze %dma_wait3A_21 : memref<1x128xi32, #tpu.memory_space<vmem>> -> memref<128xi32, #tpu.memory_space<vmem>>
      %dma_wait3A_23 = arith.constant 0 : i32
      %dma_wait3A_24 = arith.constant 0 : i32
      %dma_wait3A_25 = tpu.memref_slice %arg2[%dma_wait3A_23, %dma_wait3A_24] : memref<10000x128xf32, #tpu.memory_space<hbm>> -> memref<10000x128xf32, #tpu.memory_space<hbm>>
      tpu.wait_indirect_dma semaphore(%arg11 : memref<!tpu.dma_semaphore, #tpu.memory_space<semaphore_mem>>) src(%dma_wait3A_25 : memref<10000x128xf32, #tpu.memory_space<hbm>>) dst(%arg9 : memref<128x128xf32, #tpu.memory_space<vmem>>)
      "tpu.region"() ({
        %run_scoped3A = tpu.sem_alloc : memref<!tpu.dma_semaphore, #tpu.memory_space<semaphore_mem>>
        %dma_start3A_26 = arith.constant 0 : i32
        %dma_start3A_27 = tpu.memref_slice %arg8[%scan3A_15, %dma_start3A_26] : memref<79x128xi32, #tpu.memory_space<vmem>> -> memref<1x128xi32, #tpu.memory_space<vmem>>
        %dma_start3A_28 = tpu.memref_squeeze %dma_start3A_27 : memref<1x128xi32, #tpu.memory_space<vmem>> -> memref<128xi32, #tpu.memory_space<vmem>>
        %dma_start3A_29 = arith.constant 0 : i32
        %dma_start3A_30 = arith.constant 0 : i32
        %dma_start3A_31 = tpu.memref_slice %arg10[%dma_start3A_29, %dma_start3A_30] : memref<10112x128xf32, #tpu.memory_space<vmem_shared>> -> memref<10112x128xf32, #tpu.memory_space<vmem_shared>>
        tpu.enqueue_indirect_dma source(%arg9 : memref<128x128xf32, #tpu.memory_space<vmem>>) target(%dma_start3A_31 : memref<10112x128xf32, #tpu.memory_space<vmem_shared>>) offsets(%dma_start3A_28 : memref<128xi32, #tpu.memory_space<vmem>>) semaphore(%run_scoped3A : memref<!tpu.dma_semaphore, #tpu.memory_space<semaphore_mem>>) {add = true}
        %dma_wait3A_32 = arith.constant 0 : i32
        %dma_wait3A_33 = tpu.memref_slice %arg8[%scan3A_15, %dma_wait3A_32] : memref<79x128xi32, #tpu.memory_space<vmem>> -> memref<1x128xi32, #tpu.memory_space<vmem>>
        %dma_wait3A_34 = tpu.memref_squeeze %dma_wait3A_33 : memref<1x128xi32, #tpu.memory_space<vmem>> -> memref<128xi32, #tpu.memory_space<vmem>>
        %dma_wait3A_35 = arith.constant 0 : i32
        %dma_wait3A_36 = arith.constant 0 : i32
        %dma_wait3A_37 = tpu.memref_slice %arg10[%dma_wait3A_35, %dma_wait3A_36] : memref<10112x128xf32, #tpu.memory_space<vmem_shared>> -> memref<10112x128xf32, #tpu.memory_space<vmem_shared>>
        tpu.wait_indirect_dma semaphore(%run_scoped3A : memref<!tpu.dma_semaphore, #tpu.memory_space<semaphore_mem>>) src(%arg9 : memref<128x128xf32, #tpu.memory_space<vmem>>) dst(%dma_wait3A_37 : memref<10112x128xf32, #tpu.memory_space<vmem_shared>>)
        tpu.yield
      }) : () -> ()
    }
    %scan3A_9 = arith.constant 79 : i32
    %barrier3A_10 = arith.constant 0 : index
    tpu.barrier barrier_id(%barrier3A_10)
    %mul3A_11 = arith.constant 632 : i32
    %mul3A_12 = arith.muli %arg1, %mul3A_11 : i32
    %mul3A_13 = arith.constant 632 : i32
    %mul3A_14 = arith.muli %arg1, %mul3A_13 : i32
    "tpu.region"() ({
      %run_scoped3A = tpu.sem_alloc : memref<!tpu.dma_semaphore, #tpu.memory_space<semaphore_mem>>
      %dma_start3A = arith.constant 0 : i32
      %dma_start3A_15 = tpu.memref_slice %arg6[%arg0, %mul3A_14, %dma_start3A] : memref<2x10112x128xf32, #tpu.memory_space<hbm>> -> memref<1x632x128xf32, #tpu.memory_space<hbm>>
      %dma_start3A_16 = tpu.memref_squeeze %dma_start3A_15 : memref<1x632x128xf32, #tpu.memory_space<hbm>> -> memref<632x128xf32, #tpu.memory_space<hbm>>
      %dma_start3A_17 = arith.constant 0 : i32
      %dma_start3A_18 = tpu.memref_slice %arg10[%mul3A_12, %dma_start3A_17] : memref<10112x128xf32, #tpu.memory_space<vmem_shared>> -> memref<632x128xf32, #tpu.memory_space<vmem_shared>>
      tpu.enqueue_dma source(%dma_start3A_18 : memref<632x128xf32, #tpu.memory_space<vmem_shared>>) target(%dma_start3A_16 : memref<632x128xf32, #tpu.memory_space<hbm>>) target_semaphore(%run_scoped3A : memref<!tpu.dma_semaphore, #tpu.memory_space<semaphore_mem>>)
      %dma_wait3A = arith.constant 0 : i32
      %dma_wait3A_19 = tpu.memref_slice %arg6[%arg0, %mul3A_14, %dma_wait3A] : memref<2x10112x128xf32, #tpu.memory_space<hbm>> -> memref<1x632x128xf32, #tpu.memory_space<hbm>>
      %dma_wait3A_20 = tpu.memref_squeeze %dma_wait3A_19 : memref<1x632x128xf32, #tpu.memory_space<hbm>> -> memref<632x128xf32, #tpu.memory_space<hbm>>
      %dma_wait3A_21 = arith.constant 0 : i32
      %dma_wait3A_22 = tpu.memref_slice %arg10[%mul3A_12, %dma_wait3A_21] : memref<10112x128xf32, #tpu.memory_space<vmem_shared>> -> memref<632x128xf32, #tpu.memory_space<vmem_shared>>
      tpu.wait_dma2 semaphore(%run_scoped3A : memref<!tpu.dma_semaphore, #tpu.memory_space<semaphore_mem>>) src(%dma_wait3A_22 : memref<632x128xf32, #tpu.memory_space<vmem_shared>>) dst(%dma_wait3A_20 : memref<632x128xf32, #tpu.memory_space<hbm>>)
      tpu.yield
    }) : () -> ()
    return
  }
}

#map = affine_map<(d0, d1) -> (0, 0, 0)>
#map1 = affine_map<(d0, d1) -> (0, 0)>
module attributes {stable_mosaic.version = 14 : i64} {
  func.func @_cnt_body(%arg0: i32, %arg1: i32, %arg2: memref<32x79x128xi32, #tpu.memory_space<hbm>>, %arg3: memref<10112x128xf32, #tpu.memory_space<hbm>>, %arg4: memref<128x128xf32, #tpu.memory_space<hbm>>, %arg5: memref<2x10112x128xf32, #tpu.memory_space<hbm>>, %arg6: memref<79x128xi32, #tpu.memory_space<vmem>>, %arg7: memref<128x128xf32, #tpu.memory_space<vmem>>, %arg8: memref<10112x128xf32, #tpu.memory_space<vmem_shared>>, %arg9: memref<!tpu.dma_semaphore, #tpu.memory_space<semaphore_mem>>) attributes {dimension_semantics = [#tpu.dimension_semantics<core_parallel>, #tpu.dimension_semantics<subcore_parallel>], iteration_bounds = array<i64: 2, 16>, scalar_prefetch = 0 : i64, scratch_operands = 4 : i64, tpu.core_type = #tpu.core_type<sc_vector_subcore>, window_params = [{transform_indices = #map}, {transform_indices = #map1}, {transform_indices = #map1}, {transform_indices = #map}]} {
    %mul3A = arith.constant 16 : i32
    %mul3A_0 = arith.muli %arg0, %mul3A : i32
    %add3A = arith.addi %mul3A_0, %arg1 : i32
    %mul3A_1 = arith.constant 632 : i32
    %mul3A_2 = arith.muli %arg1, %mul3A_1 : i32
    %mul3A_3 = arith.constant 632 : i32
    %mul3A_4 = arith.muli %arg1, %mul3A_3 : i32
    "tpu.region"() ({
      %run_scoped3A = tpu.sem_alloc : memref<!tpu.dma_semaphore, #tpu.memory_space<semaphore_mem>>
      %dma_start3A = arith.constant 0 : i32
      %dma_start3A_15 = tpu.memref_slice %arg8[%mul3A_4, %dma_start3A] : memref<10112x128xf32, #tpu.memory_space<vmem_shared>> -> memref<632x128xf32, #tpu.memory_space<vmem_shared>>
      %dma_start3A_16 = arith.constant 0 : i32
      %dma_start3A_17 = tpu.memref_slice %arg3[%mul3A_2, %dma_start3A_16] : memref<10112x128xf32, #tpu.memory_space<hbm>> -> memref<632x128xf32, #tpu.memory_space<hbm>>
      tpu.enqueue_dma source(%dma_start3A_17 : memref<632x128xf32, #tpu.memory_space<hbm>>) target(%dma_start3A_15 : memref<632x128xf32, #tpu.memory_space<vmem_shared>>) target_semaphore(%run_scoped3A : memref<!tpu.dma_semaphore, #tpu.memory_space<semaphore_mem>>)
      %dma_wait3A = arith.constant 0 : i32
      %dma_wait3A_18 = tpu.memref_slice %arg8[%mul3A_4, %dma_wait3A] : memref<10112x128xf32, #tpu.memory_space<vmem_shared>> -> memref<632x128xf32, #tpu.memory_space<vmem_shared>>
      %dma_wait3A_19 = arith.constant 0 : i32
      %dma_wait3A_20 = tpu.memref_slice %arg3[%mul3A_2, %dma_wait3A_19] : memref<10112x128xf32, #tpu.memory_space<hbm>> -> memref<632x128xf32, #tpu.memory_space<hbm>>
      tpu.wait_dma2 semaphore(%run_scoped3A : memref<!tpu.dma_semaphore, #tpu.memory_space<semaphore_mem>>) src(%dma_wait3A_20 : memref<632x128xf32, #tpu.memory_space<hbm>>) dst(%dma_wait3A_18 : memref<632x128xf32, #tpu.memory_space<vmem_shared>>)
      tpu.yield
    }) : () -> ()
    "tpu.region"() ({
      %run_scoped3A = tpu.sem_alloc : memref<!tpu.dma_semaphore, #tpu.memory_space<semaphore_mem>>
      tpu.enqueue_dma source(%arg4 : memref<128x128xf32, #tpu.memory_space<hbm>>) target(%arg7 : memref<128x128xf32, #tpu.memory_space<vmem>>) target_semaphore(%run_scoped3A : memref<!tpu.dma_semaphore, #tpu.memory_space<semaphore_mem>>)
      tpu.wait_dma2 semaphore(%run_scoped3A : memref<!tpu.dma_semaphore, #tpu.memory_space<semaphore_mem>>) src(%arg4 : memref<128x128xf32, #tpu.memory_space<hbm>>) dst(%arg7 : memref<128x128xf32, #tpu.memory_space<vmem>>)
      tpu.yield
    }) : () -> ()
    "tpu.region"() ({
      %run_scoped3A = tpu.sem_alloc : memref<!tpu.dma_semaphore, #tpu.memory_space<semaphore_mem>>
      %dma_start3A = arith.constant 0 : i32
      %dma_start3A_15 = arith.constant 0 : i32
      %dma_start3A_16 = tpu.memref_slice %arg2[%add3A, %dma_start3A, %dma_start3A_15] : memref<32x79x128xi32, #tpu.memory_space<hbm>> -> memref<1x79x128xi32, #tpu.memory_space<hbm>>
      %dma_start3A_17 = tpu.memref_squeeze %dma_start3A_16 : memref<1x79x128xi32, #tpu.memory_space<hbm>> -> memref<79x128xi32, #tpu.memory_space<hbm>>
      %dma_start3A_18 = arith.constant 0 : i32
      %dma_start3A_19 = arith.constant 0 : i32
      %dma_start3A_20 = tpu.memref_slice %arg2[%add3A, %dma_start3A_18, %dma_start3A_19] : memref<32x79x128xi32, #tpu.memory_space<hbm>> -> memref<1x79x128xi32, #tpu.memory_space<hbm>>
      %dma_start3A_21 = tpu.memref_squeeze %dma_start3A_20 : memref<1x79x128xi32, #tpu.memory_space<hbm>> -> memref<79x128xi32, #tpu.memory_space<hbm>>
      tpu.enqueue_dma source(%dma_start3A_21 : memref<79x128xi32, #tpu.memory_space<hbm>>) target(%arg6 : memref<79x128xi32, #tpu.memory_space<vmem>>) target_semaphore(%run_scoped3A : memref<!tpu.dma_semaphore, #tpu.memory_space<semaphore_mem>>)
      %dma_wait3A = arith.constant 0 : i32
      %dma_wait3A_22 = arith.constant 0 : i32
      %dma_wait3A_23 = tpu.memref_slice %arg2[%add3A, %dma_wait3A, %dma_wait3A_22] : memref<32x79x128xi32, #tpu.memory_space<hbm>> -> memref<1x79x128xi32, #tpu.memory_space<hbm>>
      %dma_wait3A_24 = tpu.memref_squeeze %dma_wait3A_23 : memref<1x79x128xi32, #tpu.memory_space<hbm>> -> memref<79x128xi32, #tpu.memory_space<hbm>>
      %dma_wait3A_25 = arith.constant 0 : i32
      %dma_wait3A_26 = arith.constant 0 : i32
      %dma_wait3A_27 = tpu.memref_slice %arg2[%add3A, %dma_wait3A_25, %dma_wait3A_26] : memref<32x79x128xi32, #tpu.memory_space<hbm>> -> memref<1x79x128xi32, #tpu.memory_space<hbm>>
      %dma_wait3A_28 = tpu.memref_squeeze %dma_wait3A_27 : memref<1x79x128xi32, #tpu.memory_space<hbm>> -> memref<79x128xi32, #tpu.memory_space<hbm>>
      tpu.wait_dma2 semaphore(%run_scoped3A : memref<!tpu.dma_semaphore, #tpu.memory_space<semaphore_mem>>) src(%dma_wait3A_28 : memref<79x128xi32, #tpu.memory_space<hbm>>) dst(%arg6 : memref<79x128xi32, #tpu.memory_space<vmem>>)
      tpu.yield
    }) : () -> ()
    %barrier3A = arith.constant 0 : index
    tpu.barrier barrier_id(%barrier3A)
    %scan3A = arith.constant 0 : i32
    %scan3A_5 = arith.constant 0 : i32
    %scan3A_6 = arith.constant 79 : i32
    %scan3A_7 = arith.addi %scan3A_5, %scan3A_6 : i32
    %scan3A_8 = arith.constant 1 : i32
    scf.for %scan3A_15 = %scan3A_5 to %scan3A_7 step %scan3A_8  : i32 {
      "tpu.region"() ({
        %run_scoped3A = tpu.sem_alloc : memref<!tpu.dma_semaphore, #tpu.memory_space<semaphore_mem>>
        %dma_start3A = arith.constant 0 : i32
        %dma_start3A_16 = tpu.memref_slice %arg6[%scan3A_15, %dma_start3A] : memref<79x128xi32, #tpu.memory_space<vmem>> -> memref<1x128xi32, #tpu.memory_space<vmem>>
        %dma_start3A_17 = tpu.memref_squeeze %dma_start3A_16 : memref<1x128xi32, #tpu.memory_space<vmem>> -> memref<128xi32, #tpu.memory_space<vmem>>
        %dma_start3A_18 = arith.constant 0 : i32
        %dma_start3A_19 = arith.constant 0 : i32
        %dma_start3A_20 = tpu.memref_slice %arg8[%dma_start3A_18, %dma_start3A_19] : memref<10112x128xf32, #tpu.memory_space<vmem_shared>> -> memref<10112x128xf32, #tpu.memory_space<vmem_shared>>
        tpu.enqueue_indirect_dma source(%arg7 : memref<128x128xf32, #tpu.memory_space<vmem>>) target(%dma_start3A_20 : memref<10112x128xf32, #tpu.memory_space<vmem_shared>>) offsets(%dma_start3A_17 : memref<128xi32, #tpu.memory_space<vmem>>) semaphore(%run_scoped3A : memref<!tpu.dma_semaphore, #tpu.memory_space<semaphore_mem>>) {add = true}
        %dma_wait3A = arith.constant 0 : i32
        %dma_wait3A_21 = tpu.memref_slice %arg6[%scan3A_15, %dma_wait3A] : memref<79x128xi32, #tpu.memory_space<vmem>> -> memref<1x128xi32, #tpu.memory_space<vmem>>
        %dma_wait3A_22 = tpu.memref_squeeze %dma_wait3A_21 : memref<1x128xi32, #tpu.memory_space<vmem>> -> memref<128xi32, #tpu.memory_space<vmem>>
        %dma_wait3A_23 = arith.constant 0 : i32
        %dma_wait3A_24 = arith.constant 0 : i32
        %dma_wait3A_25 = tpu.memref_slice %arg8[%dma_wait3A_23, %dma_wait3A_24] : memref<10112x128xf32, #tpu.memory_space<vmem_shared>> -> memref<10112x128xf32, #tpu.memory_space<vmem_shared>>
        tpu.wait_indirect_dma semaphore(%run_scoped3A : memref<!tpu.dma_semaphore, #tpu.memory_space<semaphore_mem>>) src(%arg7 : memref<128x128xf32, #tpu.memory_space<vmem>>) dst(%dma_wait3A_25 : memref<10112x128xf32, #tpu.memory_space<vmem_shared>>)
        tpu.yield
      }) : () -> ()
    }
    %scan3A_9 = arith.constant 79 : i32
    %barrier3A_10 = arith.constant 0 : index
    tpu.barrier barrier_id(%barrier3A_10)
    %mul3A_11 = arith.constant 632 : i32
    %mul3A_12 = arith.muli %arg1, %mul3A_11 : i32
    %mul3A_13 = arith.constant 632 : i32
    %mul3A_14 = arith.muli %arg1, %mul3A_13 : i32
    "tpu.region"() ({
      %run_scoped3A = tpu.sem_alloc : memref<!tpu.dma_semaphore, #tpu.memory_space<semaphore_mem>>
      %dma_start3A = arith.constant 0 : i32
      %dma_start3A_15 = tpu.memref_slice %arg5[%arg0, %mul3A_14, %dma_start3A] : memref<2x10112x128xf32, #tpu.memory_space<hbm>> -> memref<1x632x128xf32, #tpu.memory_space<hbm>>
      %dma_start3A_16 = tpu.memref_squeeze %dma_start3A_15 : memref<1x632x128xf32, #tpu.memory_space<hbm>> -> memref<632x128xf32, #tpu.memory_space<hbm>>
      %dma_start3A_17 = arith.constant 0 : i32
      %dma_start3A_18 = tpu.memref_slice %arg8[%mul3A_12, %dma_start3A_17] : memref<10112x128xf32, #tpu.memory_space<vmem_shared>> -> memref<632x128xf32, #tpu.memory_space<vmem_shared>>
      tpu.enqueue_dma source(%dma_start3A_18 : memref<632x128xf32, #tpu.memory_space<vmem_shared>>) target(%dma_start3A_16 : memref<632x128xf32, #tpu.memory_space<hbm>>) target_semaphore(%run_scoped3A : memref<!tpu.dma_semaphore, #tpu.memory_space<semaphore_mem>>)
      %dma_wait3A = arith.constant 0 : i32
      %dma_wait3A_19 = tpu.memref_slice %arg5[%arg0, %mul3A_14, %dma_wait3A] : memref<2x10112x128xf32, #tpu.memory_space<hbm>> -> memref<1x632x128xf32, #tpu.memory_space<hbm>>
      %dma_wait3A_20 = tpu.memref_squeeze %dma_wait3A_19 : memref<1x632x128xf32, #tpu.memory_space<hbm>> -> memref<632x128xf32, #tpu.memory_space<hbm>>
      %dma_wait3A_21 = arith.constant 0 : i32
      %dma_wait3A_22 = tpu.memref_slice %arg8[%mul3A_12, %dma_wait3A_21] : memref<10112x128xf32, #tpu.memory_space<vmem_shared>> -> memref<632x128xf32, #tpu.memory_space<vmem_shared>>
      tpu.wait_dma2 semaphore(%run_scoped3A : memref<!tpu.dma_semaphore, #tpu.memory_space<semaphore_mem>>) src(%dma_wait3A_22 : memref<632x128xf32, #tpu.memory_space<vmem_shared>>) dst(%dma_wait3A_20 : memref<632x128xf32, #tpu.memory_space<hbm>>)
      tpu.yield
    }) : () -> ()
    return
  }
}

#map = affine_map<(d0, d1) -> (0, 0)>
#map1 = affine_map<(d0, d1) -> (0, 0, 0)>
module attributes {stable_mosaic.version = 14 : i64} {
  func.func @_agg_body(%arg0: i32, %arg1: i32, %arg2: memref<10000x128xf32, #tpu.memory_space<hbm>>, %arg3: memref<32x79x128xi32, #tpu.memory_space<hbm>>, %arg4: memref<32x79x128xi32, #tpu.memory_space<hbm>>, %arg5: memref<10112x128xf32, #tpu.memory_space<hbm>>, %arg6: memref<2x10112x128xf32, #tpu.memory_space<hbm>>, %arg7: memref<79x128xi32, #tpu.memory_space<vmem>>, %arg8: memref<79x128xi32, #tpu.memory_space<vmem>>, %arg9: memref<128x128xf32, #tpu.memory_space<vmem>>, %arg10: memref<10112x128xf32, #tpu.memory_space<vmem_shared>>, %arg11: memref<!tpu.dma_semaphore, #tpu.memory_space<semaphore_mem>>) attributes {dimension_semantics = [#tpu.dimension_semantics<core_parallel>, #tpu.dimension_semantics<subcore_parallel>], iteration_bounds = array<i64: 2, 16>, scalar_prefetch = 0 : i64, scratch_operands = 5 : i64, tpu.core_type = #tpu.core_type<sc_vector_subcore>, window_params = [{transform_indices = #map}, {transform_indices = #map1}, {transform_indices = #map1}, {transform_indices = #map}, {transform_indices = #map1}]} {
    %mul3A = arith.constant 16 : i32
    %mul3A_0 = arith.muli %arg0, %mul3A : i32
    %add3A = arith.addi %mul3A_0, %arg1 : i32
    %mul3A_1 = arith.constant 632 : i32
    %mul3A_2 = arith.muli %arg1, %mul3A_1 : i32
    %mul3A_3 = arith.constant 632 : i32
    %mul3A_4 = arith.muli %arg1, %mul3A_3 : i32
    "tpu.region"() ({
      %run_scoped3A = tpu.sem_alloc : memref<!tpu.dma_semaphore, #tpu.memory_space<semaphore_mem>>
      %dma_start3A = arith.constant 0 : i32
      %dma_start3A_15 = tpu.memref_slice %arg10[%mul3A_4, %dma_start3A] : memref<10112x128xf32, #tpu.memory_space<vmem_shared>> -> memref<632x128xf32, #tpu.memory_space<vmem_shared>>
      %dma_start3A_16 = arith.constant 0 : i32
      %dma_start3A_17 = tpu.memref_slice %arg5[%mul3A_2, %dma_start3A_16] : memref<10112x128xf32, #tpu.memory_space<hbm>> -> memref<632x128xf32, #tpu.memory_space<hbm>>
      tpu.enqueue_dma source(%dma_start3A_17 : memref<632x128xf32, #tpu.memory_space<hbm>>) target(%dma_start3A_15 : memref<632x128xf32, #tpu.memory_space<vmem_shared>>) target_semaphore(%run_scoped3A : memref<!tpu.dma_semaphore, #tpu.memory_space<semaphore_mem>>)
      %dma_wait3A = arith.constant 0 : i32
      %dma_wait3A_18 = tpu.memref_slice %arg10[%mul3A_4, %dma_wait3A] : memref<10112x128xf32, #tpu.memory_space<vmem_shared>> -> memref<632x128xf32, #tpu.memory_space<vmem_shared>>
      %dma_wait3A_19 = arith.constant 0 : i32
      %dma_wait3A_20 = tpu.memref_slice %arg5[%mul3A_2, %dma_wait3A_19] : memref<10112x128xf32, #tpu.memory_space<hbm>> -> memref<632x128xf32, #tpu.memory_space<hbm>>
      tpu.wait_dma2 semaphore(%run_scoped3A : memref<!tpu.dma_semaphore, #tpu.memory_space<semaphore_mem>>) src(%dma_wait3A_20 : memref<632x128xf32, #tpu.memory_space<hbm>>) dst(%dma_wait3A_18 : memref<632x128xf32, #tpu.memory_space<vmem_shared>>)
      tpu.yield
    }) : () -> ()
    "tpu.region"() ({
      %run_scoped3A = tpu.sem_alloc : memref<!tpu.dma_semaphore, #tpu.memory_space<semaphore_mem>>
      %dma_start3A = arith.constant 0 : i32
      %dma_start3A_15 = arith.constant 0 : i32
      %dma_start3A_16 = tpu.memref_slice %arg3[%add3A, %dma_start3A, %dma_start3A_15] : memref<32x79x128xi32, #tpu.memory_space<hbm>> -> memref<1x79x128xi32, #tpu.memory_space<hbm>>
      %dma_start3A_17 = tpu.memref_squeeze %dma_start3A_16 : memref<1x79x128xi32, #tpu.memory_space<hbm>> -> memref<79x128xi32, #tpu.memory_space<hbm>>
      %dma_start3A_18 = arith.constant 0 : i32
      %dma_start3A_19 = arith.constant 0 : i32
      %dma_start3A_20 = tpu.memref_slice %arg3[%add3A, %dma_start3A_18, %dma_start3A_19] : memref<32x79x128xi32, #tpu.memory_space<hbm>> -> memref<1x79x128xi32, #tpu.memory_space<hbm>>
      %dma_start3A_21 = tpu.memref_squeeze %dma_start3A_20 : memref<1x79x128xi32, #tpu.memory_space<hbm>> -> memref<79x128xi32, #tpu.memory_space<hbm>>
      tpu.enqueue_dma source(%dma_start3A_21 : memref<79x128xi32, #tpu.memory_space<hbm>>) target(%arg7 : memref<79x128xi32, #tpu.memory_space<vmem>>) target_semaphore(%run_scoped3A : memref<!tpu.dma_semaphore, #tpu.memory_space<semaphore_mem>>)
      %dma_wait3A = arith.constant 0 : i32
      %dma_wait3A_22 = arith.constant 0 : i32
      %dma_wait3A_23 = tpu.memref_slice %arg3[%add3A, %dma_wait3A, %dma_wait3A_22] : memref<32x79x128xi32, #tpu.memory_space<hbm>> -> memref<1x79x128xi32, #tpu.memory_space<hbm>>
      %dma_wait3A_24 = tpu.memref_squeeze %dma_wait3A_23 : memref<1x79x128xi32, #tpu.memory_space<hbm>> -> memref<79x128xi32, #tpu.memory_space<hbm>>
      %dma_wait3A_25 = arith.constant 0 : i32
      %dma_wait3A_26 = arith.constant 0 : i32
      %dma_wait3A_27 = tpu.memref_slice %arg3[%add3A, %dma_wait3A_25, %dma_wait3A_26] : memref<32x79x128xi32, #tpu.memory_space<hbm>> -> memref<1x79x128xi32, #tpu.memory_space<hbm>>
      %dma_wait3A_28 = tpu.memref_squeeze %dma_wait3A_27 : memref<1x79x128xi32, #tpu.memory_space<hbm>> -> memref<79x128xi32, #tpu.memory_space<hbm>>
      tpu.wait_dma2 semaphore(%run_scoped3A : memref<!tpu.dma_semaphore, #tpu.memory_space<semaphore_mem>>) src(%dma_wait3A_28 : memref<79x128xi32, #tpu.memory_space<hbm>>) dst(%arg7 : memref<79x128xi32, #tpu.memory_space<vmem>>)
      tpu.yield
    }) : () -> ()
    "tpu.region"() ({
      %run_scoped3A = tpu.sem_alloc : memref<!tpu.dma_semaphore, #tpu.memory_space<semaphore_mem>>
      %dma_start3A = arith.constant 0 : i32
      %dma_start3A_15 = arith.constant 0 : i32
      %dma_start3A_16 = tpu.memref_slice %arg4[%add3A, %dma_start3A, %dma_start3A_15] : memref<32x79x128xi32, #tpu.memory_space<hbm>> -> memref<1x79x128xi32, #tpu.memory_space<hbm>>
      %dma_start3A_17 = tpu.memref_squeeze %dma_start3A_16 : memref<1x79x128xi32, #tpu.memory_space<hbm>> -> memref<79x128xi32, #tpu.memory_space<hbm>>
      %dma_start3A_18 = arith.constant 0 : i32
      %dma_start3A_19 = arith.constant 0 : i32
      %dma_start3A_20 = tpu.memref_slice %arg4[%add3A, %dma_start3A_18, %dma_start3A_19] : memref<32x79x128xi32, #tpu.memory_space<hbm>> -> memref<1x79x128xi32, #tpu.memory_space<hbm>>
      %dma_start3A_21 = tpu.memref_squeeze %dma_start3A_20 : memref<1x79x128xi32, #tpu.memory_space<hbm>> -> memref<79x128xi32, #tpu.memory_space<hbm>>
      tpu.enqueue_dma source(%dma_start3A_21 : memref<79x128xi32, #tpu.memory_space<hbm>>) target(%arg8 : memref<79x128xi32, #tpu.memory_space<vmem>>) target_semaphore(%run_scoped3A : memref<!tpu.dma_semaphore, #tpu.memory_space<semaphore_mem>>)
      %dma_wait3A = arith.constant 0 : i32
      %dma_wait3A_22 = arith.constant 0 : i32
      %dma_wait3A_23 = tpu.memref_slice %arg4[%add3A, %dma_wait3A, %dma_wait3A_22] : memref<32x79x128xi32, #tpu.memory_space<hbm>> -> memref<1x79x128xi32, #tpu.memory_space<hbm>>
      %dma_wait3A_24 = tpu.memref_squeeze %dma_wait3A_23 : memref<1x79x128xi32, #tpu.memory_space<hbm>> -> memref<79x128xi32, #tpu.memory_space<hbm>>
      %dma_wait3A_25 = arith.constant 0 : i32
      %dma_wait3A_26 = arith.constant 0 : i32
      %dma_wait3A_27 = tpu.memref_slice %arg4[%add3A, %dma_wait3A_25, %dma_wait3A_26] : memref<32x79x128xi32, #tpu.memory_space<hbm>> -> memref<1x79x128xi32, #tpu.memory_space<hbm>>
      %dma_wait3A_28 = tpu.memref_squeeze %dma_wait3A_27 : memref<1x79x128xi32, #tpu.memory_space<hbm>> -> memref<79x128xi32, #tpu.memory_space<hbm>>
      tpu.wait_dma2 semaphore(%run_scoped3A : memref<!tpu.dma_semaphore, #tpu.memory_space<semaphore_mem>>) src(%dma_wait3A_28 : memref<79x128xi32, #tpu.memory_space<hbm>>) dst(%arg8 : memref<79x128xi32, #tpu.memory_space<vmem>>)
      tpu.yield
    }) : () -> ()
    %barrier3A = arith.constant 0 : index
    tpu.barrier barrier_id(%barrier3A)
    %scan3A = arith.constant 0 : i32
    %scan3A_5 = arith.constant 0 : i32
    %scan3A_6 = arith.constant 79 : i32
    %scan3A_7 = arith.addi %scan3A_5, %scan3A_6 : i32
    %scan3A_8 = arith.constant 1 : i32
    scf.for %scan3A_15 = %scan3A_5 to %scan3A_7 step %scan3A_8  : i32 {
      %dma_start3A = arith.constant 0 : i32
      %dma_start3A_16 = tpu.memref_slice %arg7[%scan3A_15, %dma_start3A] : memref<79x128xi32, #tpu.memory_space<vmem>> -> memref<1x128xi32, #tpu.memory_space<vmem>>
      %dma_start3A_17 = tpu.memref_squeeze %dma_start3A_16 : memref<1x128xi32, #tpu.memory_space<vmem>> -> memref<128xi32, #tpu.memory_space<vmem>>
      %dma_start3A_18 = arith.constant 0 : i32
      %dma_start3A_19 = arith.constant 0 : i32
      %dma_start3A_20 = tpu.memref_slice %arg2[%dma_start3A_18, %dma_start3A_19] : memref<10000x128xf32, #tpu.memory_space<hbm>> -> memref<10000x128xf32, #tpu.memory_space<hbm>>
      tpu.enqueue_indirect_dma source(%dma_start3A_20 : memref<10000x128xf32, #tpu.memory_space<hbm>>) target(%arg9 : memref<128x128xf32, #tpu.memory_space<vmem>>) offsets(%dma_start3A_17 : memref<128xi32, #tpu.memory_space<vmem>>) semaphore(%arg11 : memref<!tpu.dma_semaphore, #tpu.memory_space<semaphore_mem>>)
      %dma_wait3A = arith.constant 0 : i32
      %dma_wait3A_21 = tpu.memref_slice %arg7[%scan3A_15, %dma_wait3A] : memref<79x128xi32, #tpu.memory_space<vmem>> -> memref<1x128xi32, #tpu.memory_space<vmem>>
      %dma_wait3A_22 = tpu.memref_squeeze %dma_wait3A_21 : memref<1x128xi32, #tpu.memory_space<vmem>> -> memref<128xi32, #tpu.memory_space<vmem>>
      %dma_wait3A_23 = arith.constant 0 : i32
      %dma_wait3A_24 = arith.constant 0 : i32
      %dma_wait3A_25 = tpu.memref_slice %arg2[%dma_wait3A_23, %dma_wait3A_24] : memref<10000x128xf32, #tpu.memory_space<hbm>> -> memref<10000x128xf32, #tpu.memory_space<hbm>>
      tpu.wait_indirect_dma semaphore(%arg11 : memref<!tpu.dma_semaphore, #tpu.memory_space<semaphore_mem>>) src(%dma_wait3A_25 : memref<10000x128xf32, #tpu.memory_space<hbm>>) dst(%arg9 : memref<128x128xf32, #tpu.memory_space<vmem>>)
      "tpu.region"() ({
        %run_scoped3A = tpu.sem_alloc : memref<!tpu.dma_semaphore, #tpu.memory_space<semaphore_mem>>
        %dma_start3A_26 = arith.constant 0 : i32
        %dma_start3A_27 = tpu.memref_slice %arg8[%scan3A_15, %dma_start3A_26] : memref<79x128xi32, #tpu.memory_space<vmem>> -> memref<1x128xi32, #tpu.memory_space<vmem>>
        %dma_start3A_28 = tpu.memref_squeeze %dma_start3A_27 : memref<1x128xi32, #tpu.memory_space<vmem>> -> memref<128xi32, #tpu.memory_space<vmem>>
        %dma_start3A_29 = arith.constant 0 : i32
        %dma_start3A_30 = arith.constant 0 : i32
        %dma_start3A_31 = tpu.memref_slice %arg10[%dma_start3A_29, %dma_start3A_30] : memref<10112x128xf32, #tpu.memory_space<vmem_shared>> -> memref<10112x128xf32, #tpu.memory_space<vmem_shared>>
        tpu.enqueue_indirect_dma source(%arg9 : memref<128x128xf32, #tpu.memory_space<vmem>>) target(%dma_start3A_31 : memref<10112x128xf32, #tpu.memory_space<vmem_shared>>) offsets(%dma_start3A_28 : memref<128xi32, #tpu.memory_space<vmem>>) semaphore(%run_scoped3A : memref<!tpu.dma_semaphore, #tpu.memory_space<semaphore_mem>>) {add = true}
        %dma_wait3A_32 = arith.constant 0 : i32
        %dma_wait3A_33 = tpu.memref_slice %arg8[%scan3A_15, %dma_wait3A_32] : memref<79x128xi32, #tpu.memory_space<vmem>> -> memref<1x128xi32, #tpu.memory_space<vmem>>
        %dma_wait3A_34 = tpu.memref_squeeze %dma_wait3A_33 : memref<1x128xi32, #tpu.memory_space<vmem>> -> memref<128xi32, #tpu.memory_space<vmem>>
        %dma_wait3A_35 = arith.constant 0 : i32
        %dma_wait3A_36 = arith.constant 0 : i32
        %dma_wait3A_37 = tpu.memref_slice %arg10[%dma_wait3A_35, %dma_wait3A_36] : memref<10112x128xf32, #tpu.memory_space<vmem_shared>> -> memref<10112x128xf32, #tpu.memory_space<vmem_shared>>
        tpu.wait_indirect_dma semaphore(%run_scoped3A : memref<!tpu.dma_semaphore, #tpu.memory_space<semaphore_mem>>) src(%arg9 : memref<128x128xf32, #tpu.memory_space<vmem>>) dst(%dma_wait3A_37 : memref<10112x128xf32, #tpu.memory_space<vmem_shared>>)
        tpu.yield
      }) : () -> ()
    }
    %scan3A_9 = arith.constant 79 : i32
    %barrier3A_10 = arith.constant 0 : index
    tpu.barrier barrier_id(%barrier3A_10)
    %mul3A_11 = arith.constant 632 : i32
    %mul3A_12 = arith.muli %arg1, %mul3A_11 : i32
    %mul3A_13 = arith.constant 632 : i32
    %mul3A_14 = arith.muli %arg1, %mul3A_13 : i32
    "tpu.region"() ({
      %run_scoped3A = tpu.sem_alloc : memref<!tpu.dma_semaphore, #tpu.memory_space<semaphore_mem>>
      %dma_start3A = arith.constant 0 : i32
      %dma_start3A_15 = tpu.memref_slice %arg6[%arg0, %mul3A_14, %dma_start3A] : memref<2x10112x128xf32, #tpu.memory_space<hbm>> -> memref<1x632x128xf32, #tpu.memory_space<hbm>>
      %dma_start3A_16 = tpu.memref_squeeze %dma_start3A_15 : memref<1x632x128xf32, #tpu.memory_space<hbm>> -> memref<632x128xf32, #tpu.memory_space<hbm>>
      %dma_start3A_17 = arith.constant 0 : i32
      %dma_start3A_18 = tpu.memref_slice %arg10[%mul3A_12, %dma_start3A_17] : memref<10112x128xf32, #tpu.memory_space<vmem_shared>> -> memref<632x128xf32, #tpu.memory_space<vmem_shared>>
      tpu.enqueue_dma source(%dma_start3A_18 : memref<632x128xf32, #tpu.memory_space<vmem_shared>>) target(%dma_start3A_16 : memref<632x128xf32, #tpu.memory_space<hbm>>) target_semaphore(%run_scoped3A : memref<!tpu.dma_semaphore, #tpu.memory_space<semaphore_mem>>)
      %dma_wait3A = arith.constant 0 : i32
      %dma_wait3A_19 = tpu.memref_slice %arg6[%arg0, %mul3A_14, %dma_wait3A] : memref<2x10112x128xf32, #tpu.memory_space<hbm>> -> memref<1x632x128xf32, #tpu.memory_space<hbm>>
      %dma_wait3A_20 = tpu.memref_squeeze %dma_wait3A_19 : memref<1x632x128xf32, #tpu.memory_space<hbm>> -> memref<632x128xf32, #tpu.memory_space<hbm>>
      %dma_wait3A_21 = arith.constant 0 : i32
      %dma_wait3A_22 = tpu.memref_slice %arg10[%mul3A_12, %dma_wait3A_21] : memref<10112x128xf32, #tpu.memory_space<vmem_shared>> -> memref<632x128xf32, #tpu.memory_space<vmem_shared>>
      tpu.wait_dma2 semaphore(%run_scoped3A : memref<!tpu.dma_semaphore, #tpu.memory_space<semaphore_mem>>) src(%dma_wait3A_22 : memref<632x128xf32, #tpu.memory_space<vmem_shared>>) dst(%dma_wait3A_20 : memref<632x128xf32, #tpu.memory_space<hbm>>)
      tpu.yield
    }) : () -> ()
    return
  }
}

#map = affine_map<(d0, d1) -> (0, 0)>
#map1 = affine_map<(d0, d1) -> (0, 0, 0)>
module attributes {stable_mosaic.version = 14 : i64} {
  func.func @_agg_body(%arg0: i32, %arg1: i32, %arg2: memref<10000x128xf32, #tpu.memory_space<hbm>>, %arg3: memref<32x79x128xi32, #tpu.memory_space<hbm>>, %arg4: memref<32x79x128xi32, #tpu.memory_space<hbm>>, %arg5: memref<10112x128xf32, #tpu.memory_space<hbm>>, %arg6: memref<2x10112x128xf32, #tpu.memory_space<hbm>>, %arg7: memref<79x128xi32, #tpu.memory_space<vmem>>, %arg8: memref<79x128xi32, #tpu.memory_space<vmem>>, %arg9: memref<128x128xf32, #tpu.memory_space<vmem>>, %arg10: memref<10112x128xf32, #tpu.memory_space<vmem_shared>>, %arg11: memref<!tpu.dma_semaphore, #tpu.memory_space<semaphore_mem>>) attributes {dimension_semantics = [#tpu.dimension_semantics<core_parallel>, #tpu.dimension_semantics<subcore_parallel>], iteration_bounds = array<i64: 2, 16>, scalar_prefetch = 0 : i64, scratch_operands = 5 : i64, tpu.core_type = #tpu.core_type<sc_vector_subcore>, window_params = [{transform_indices = #map}, {transform_indices = #map1}, {transform_indices = #map1}, {transform_indices = #map}, {transform_indices = #map1}]} {
    %mul3A = arith.constant 16 : i32
    %mul3A_0 = arith.muli %arg0, %mul3A : i32
    %add3A = arith.addi %mul3A_0, %arg1 : i32
    %mul3A_1 = arith.constant 632 : i32
    %mul3A_2 = arith.muli %arg1, %mul3A_1 : i32
    %mul3A_3 = arith.constant 632 : i32
    %mul3A_4 = arith.muli %arg1, %mul3A_3 : i32
    "tpu.region"() ({
      %run_scoped3A = tpu.sem_alloc : memref<!tpu.dma_semaphore, #tpu.memory_space<semaphore_mem>>
      %dma_start3A = arith.constant 0 : i32
      %dma_start3A_15 = tpu.memref_slice %arg10[%mul3A_4, %dma_start3A] : memref<10112x128xf32, #tpu.memory_space<vmem_shared>> -> memref<632x128xf32, #tpu.memory_space<vmem_shared>>
      %dma_start3A_16 = arith.constant 0 : i32
      %dma_start3A_17 = tpu.memref_slice %arg5[%mul3A_2, %dma_start3A_16] : memref<10112x128xf32, #tpu.memory_space<hbm>> -> memref<632x128xf32, #tpu.memory_space<hbm>>
      tpu.enqueue_dma source(%dma_start3A_17 : memref<632x128xf32, #tpu.memory_space<hbm>>) target(%dma_start3A_15 : memref<632x128xf32, #tpu.memory_space<vmem_shared>>) target_semaphore(%run_scoped3A : memref<!tpu.dma_semaphore, #tpu.memory_space<semaphore_mem>>)
      %dma_wait3A = arith.constant 0 : i32
      %dma_wait3A_18 = tpu.memref_slice %arg10[%mul3A_4, %dma_wait3A] : memref<10112x128xf32, #tpu.memory_space<vmem_shared>> -> memref<632x128xf32, #tpu.memory_space<vmem_shared>>
      %dma_wait3A_19 = arith.constant 0 : i32
      %dma_wait3A_20 = tpu.memref_slice %arg5[%mul3A_2, %dma_wait3A_19] : memref<10112x128xf32, #tpu.memory_space<hbm>> -> memref<632x128xf32, #tpu.memory_space<hbm>>
      tpu.wait_dma2 semaphore(%run_scoped3A : memref<!tpu.dma_semaphore, #tpu.memory_space<semaphore_mem>>) src(%dma_wait3A_20 : memref<632x128xf32, #tpu.memory_space<hbm>>) dst(%dma_wait3A_18 : memref<632x128xf32, #tpu.memory_space<vmem_shared>>)
      tpu.yield
    }) : () -> ()
    "tpu.region"() ({
      %run_scoped3A = tpu.sem_alloc : memref<!tpu.dma_semaphore, #tpu.memory_space<semaphore_mem>>
      %dma_start3A = arith.constant 0 : i32
      %dma_start3A_15 = arith.constant 0 : i32
      %dma_start3A_16 = tpu.memref_slice %arg3[%add3A, %dma_start3A, %dma_start3A_15] : memref<32x79x128xi32, #tpu.memory_space<hbm>> -> memref<1x79x128xi32, #tpu.memory_space<hbm>>
      %dma_start3A_17 = tpu.memref_squeeze %dma_start3A_16 : memref<1x79x128xi32, #tpu.memory_space<hbm>> -> memref<79x128xi32, #tpu.memory_space<hbm>>
      %dma_start3A_18 = arith.constant 0 : i32
      %dma_start3A_19 = arith.constant 0 : i32
      %dma_start3A_20 = tpu.memref_slice %arg3[%add3A, %dma_start3A_18, %dma_start3A_19] : memref<32x79x128xi32, #tpu.memory_space<hbm>> -> memref<1x79x128xi32, #tpu.memory_space<hbm>>
      %dma_start3A_21 = tpu.memref_squeeze %dma_start3A_20 : memref<1x79x128xi32, #tpu.memory_space<hbm>> -> memref<79x128xi32, #tpu.memory_space<hbm>>
      tpu.enqueue_dma source(%dma_start3A_21 : memref<79x128xi32, #tpu.memory_space<hbm>>) target(%arg7 : memref<79x128xi32, #tpu.memory_space<vmem>>) target_semaphore(%run_scoped3A : memref<!tpu.dma_semaphore, #tpu.memory_space<semaphore_mem>>)
      %dma_wait3A = arith.constant 0 : i32
      %dma_wait3A_22 = arith.constant 0 : i32
      %dma_wait3A_23 = tpu.memref_slice %arg3[%add3A, %dma_wait3A, %dma_wait3A_22] : memref<32x79x128xi32, #tpu.memory_space<hbm>> -> memref<1x79x128xi32, #tpu.memory_space<hbm>>
      %dma_wait3A_24 = tpu.memref_squeeze %dma_wait3A_23 : memref<1x79x128xi32, #tpu.memory_space<hbm>> -> memref<79x128xi32, #tpu.memory_space<hbm>>
      %dma_wait3A_25 = arith.constant 0 : i32
      %dma_wait3A_26 = arith.constant 0 : i32
      %dma_wait3A_27 = tpu.memref_slice %arg3[%add3A, %dma_wait3A_25, %dma_wait3A_26] : memref<32x79x128xi32, #tpu.memory_space<hbm>> -> memref<1x79x128xi32, #tpu.memory_space<hbm>>
      %dma_wait3A_28 = tpu.memref_squeeze %dma_wait3A_27 : memref<1x79x128xi32, #tpu.memory_space<hbm>> -> memref<79x128xi32, #tpu.memory_space<hbm>>
      tpu.wait_dma2 semaphore(%run_scoped3A : memref<!tpu.dma_semaphore, #tpu.memory_space<semaphore_mem>>) src(%dma_wait3A_28 : memref<79x128xi32, #tpu.memory_space<hbm>>) dst(%arg7 : memref<79x128xi32, #tpu.memory_space<vmem>>)
      tpu.yield
    }) : () -> ()
    "tpu.region"() ({
      %run_scoped3A = tpu.sem_alloc : memref<!tpu.dma_semaphore, #tpu.memory_space<semaphore_mem>>
      %dma_start3A = arith.constant 0 : i32
      %dma_start3A_15 = arith.constant 0 : i32
      %dma_start3A_16 = tpu.memref_slice %arg4[%add3A, %dma_start3A, %dma_start3A_15] : memref<32x79x128xi32, #tpu.memory_space<hbm>> -> memref<1x79x128xi32, #tpu.memory_space<hbm>>
      %dma_start3A_17 = tpu.memref_squeeze %dma_start3A_16 : memref<1x79x128xi32, #tpu.memory_space<hbm>> -> memref<79x128xi32, #tpu.memory_space<hbm>>
      %dma_start3A_18 = arith.constant 0 : i32
      %dma_start3A_19 = arith.constant 0 : i32
      %dma_start3A_20 = tpu.memref_slice %arg4[%add3A, %dma_start3A_18, %dma_start3A_19] : memref<32x79x128xi32, #tpu.memory_space<hbm>> -> memref<1x79x128xi32, #tpu.memory_space<hbm>>
      %dma_start3A_21 = tpu.memref_squeeze %dma_start3A_20 : memref<1x79x128xi32, #tpu.memory_space<hbm>> -> memref<79x128xi32, #tpu.memory_space<hbm>>
      tpu.enqueue_dma source(%dma_start3A_21 : memref<79x128xi32, #tpu.memory_space<hbm>>) target(%arg8 : memref<79x128xi32, #tpu.memory_space<vmem>>) target_semaphore(%run_scoped3A : memref<!tpu.dma_semaphore, #tpu.memory_space<semaphore_mem>>)
      %dma_wait3A = arith.constant 0 : i32
      %dma_wait3A_22 = arith.constant 0 : i32
      %dma_wait3A_23 = tpu.memref_slice %arg4[%add3A, %dma_wait3A, %dma_wait3A_22] : memref<32x79x128xi32, #tpu.memory_space<hbm>> -> memref<1x79x128xi32, #tpu.memory_space<hbm>>
      %dma_wait3A_24 = tpu.memref_squeeze %dma_wait3A_23 : memref<1x79x128xi32, #tpu.memory_space<hbm>> -> memref<79x128xi32, #tpu.memory_space<hbm>>
      %dma_wait3A_25 = arith.constant 0 : i32
      %dma_wait3A_26 = arith.constant 0 : i32
      %dma_wait3A_27 = tpu.memref_slice %arg4[%add3A, %dma_wait3A_25, %dma_wait3A_26] : memref<32x79x128xi32, #tpu.memory_space<hbm>> -> memref<1x79x128xi32, #tpu.memory_space<hbm>>
      %dma_wait3A_28 = tpu.memref_squeeze %dma_wait3A_27 : memref<1x79x128xi32, #tpu.memory_space<hbm>> -> memref<79x128xi32, #tpu.memory_space<hbm>>
      tpu.wait_dma2 semaphore(%run_scoped3A : memref<!tpu.dma_semaphore, #tpu.memory_space<semaphore_mem>>) src(%dma_wait3A_28 : memref<79x128xi32, #tpu.memory_space<hbm>>) dst(%arg8 : memref<79x128xi32, #tpu.memory_space<vmem>>)
      tpu.yield
    }) : () -> ()
    %barrier3A = arith.constant 0 : index
    tpu.barrier barrier_id(%barrier3A)
    %scan3A = arith.constant 0 : i32
    %scan3A_5 = arith.constant 0 : i32
    %scan3A_6 = arith.constant 79 : i32
    %scan3A_7 = arith.addi %scan3A_5, %scan3A_6 : i32
    %scan3A_8 = arith.constant 1 : i32
    scf.for %scan3A_15 = %scan3A_5 to %scan3A_7 step %scan3A_8  : i32 {
      %dma_start3A = arith.constant 0 : i32
      %dma_start3A_16 = tpu.memref_slice %arg7[%scan3A_15, %dma_start3A] : memref<79x128xi32, #tpu.memory_space<vmem>> -> memref<1x128xi32, #tpu.memory_space<vmem>>
      %dma_start3A_17 = tpu.memref_squeeze %dma_start3A_16 : memref<1x128xi32, #tpu.memory_space<vmem>> -> memref<128xi32, #tpu.memory_space<vmem>>
      %dma_start3A_18 = arith.constant 0 : i32
      %dma_start3A_19 = arith.constant 0 : i32
      %dma_start3A_20 = tpu.memref_slice %arg2[%dma_start3A_18, %dma_start3A_19] : memref<10000x128xf32, #tpu.memory_space<hbm>> -> memref<10000x128xf32, #tpu.memory_space<hbm>>
      tpu.enqueue_indirect_dma source(%dma_start3A_20 : memref<10000x128xf32, #tpu.memory_space<hbm>>) target(%arg9 : memref<128x128xf32, #tpu.memory_space<vmem>>) offsets(%dma_start3A_17 : memref<128xi32, #tpu.memory_space<vmem>>) semaphore(%arg11 : memref<!tpu.dma_semaphore, #tpu.memory_space<semaphore_mem>>)
      %dma_wait3A = arith.constant 0 : i32
      %dma_wait3A_21 = tpu.memref_slice %arg7[%scan3A_15, %dma_wait3A] : memref<79x128xi32, #tpu.memory_space<vmem>> -> memref<1x128xi32, #tpu.memory_space<vmem>>
      %dma_wait3A_22 = tpu.memref_squeeze %dma_wait3A_21 : memref<1x128xi32, #tpu.memory_space<vmem>> -> memref<128xi32, #tpu.memory_space<vmem>>
      %dma_wait3A_23 = arith.constant 0 : i32
      %dma_wait3A_24 = arith.constant 0 : i32
      %dma_wait3A_25 = tpu.memref_slice %arg2[%dma_wait3A_23, %dma_wait3A_24] : memref<10000x128xf32, #tpu.memory_space<hbm>> -> memref<10000x128xf32, #tpu.memory_space<hbm>>
      tpu.wait_indirect_dma semaphore(%arg11 : memref<!tpu.dma_semaphore, #tpu.memory_space<semaphore_mem>>) src(%dma_wait3A_25 : memref<10000x128xf32, #tpu.memory_space<hbm>>) dst(%arg9 : memref<128x128xf32, #tpu.memory_space<vmem>>)
      "tpu.region"() ({
        %run_scoped3A = tpu.sem_alloc : memref<!tpu.dma_semaphore, #tpu.memory_space<semaphore_mem>>
        %dma_start3A_26 = arith.constant 0 : i32
        %dma_start3A_27 = tpu.memref_slice %arg8[%scan3A_15, %dma_start3A_26] : memref<79x128xi32, #tpu.memory_space<vmem>> -> memref<1x128xi32, #tpu.memory_space<vmem>>
        %dma_start3A_28 = tpu.memref_squeeze %dma_start3A_27 : memref<1x128xi32, #tpu.memory_space<vmem>> -> memref<128xi32, #tpu.memory_space<vmem>>
        %dma_start3A_29 = arith.constant 0 : i32
        %dma_start3A_30 = arith.constant 0 : i32
        %dma_start3A_31 = tpu.memref_slice %arg10[%dma_start3A_29, %dma_start3A_30] : memref<10112x128xf32, #tpu.memory_space<vmem_shared>> -> memref<10112x128xf32, #tpu.memory_space<vmem_shared>>
        tpu.enqueue_indirect_dma source(%arg9 : memref<128x128xf32, #tpu.memory_space<vmem>>) target(%dma_start3A_31 : memref<10112x128xf32, #tpu.memory_space<vmem_shared>>) offsets(%dma_start3A_28 : memref<128xi32, #tpu.memory_space<vmem>>) semaphore(%run_scoped3A : memref<!tpu.dma_semaphore, #tpu.memory_space<semaphore_mem>>) {add = true}
        %dma_wait3A_32 = arith.constant 0 : i32
        %dma_wait3A_33 = tpu.memref_slice %arg8[%scan3A_15, %dma_wait3A_32] : memref<79x128xi32, #tpu.memory_space<vmem>> -> memref<1x128xi32, #tpu.memory_space<vmem>>
        %dma_wait3A_34 = tpu.memref_squeeze %dma_wait3A_33 : memref<1x128xi32, #tpu.memory_space<vmem>> -> memref<128xi32, #tpu.memory_space<vmem>>
        %dma_wait3A_35 = arith.constant 0 : i32
        %dma_wait3A_36 = arith.constant 0 : i32
        %dma_wait3A_37 = tpu.memref_slice %arg10[%dma_wait3A_35, %dma_wait3A_36] : memref<10112x128xf32, #tpu.memory_space<vmem_shared>> -> memref<10112x128xf32, #tpu.memory_space<vmem_shared>>
        tpu.wait_indirect_dma semaphore(%run_scoped3A : memref<!tpu.dma_semaphore, #tpu.memory_space<semaphore_mem>>) src(%arg9 : memref<128x128xf32, #tpu.memory_space<vmem>>) dst(%dma_wait3A_37 : memref<10112x128xf32, #tpu.memory_space<vmem_shared>>)
        tpu.yield
      }) : () -> ()
    }
    %scan3A_9 = arith.constant 79 : i32
    %barrier3A_10 = arith.constant 0 : index
    tpu.barrier barrier_id(%barrier3A_10)
    %mul3A_11 = arith.constant 632 : i32
    %mul3A_12 = arith.muli %arg1, %mul3A_11 : i32
    %mul3A_13 = arith.constant 632 : i32
    %mul3A_14 = arith.muli %arg1, %mul3A_13 : i32
    "tpu.region"() ({
      %run_scoped3A = tpu.sem_alloc : memref<!tpu.dma_semaphore, #tpu.memory_space<semaphore_mem>>
      %dma_start3A = arith.constant 0 : i32
      %dma_start3A_15 = tpu.memref_slice %arg6[%arg0, %mul3A_14, %dma_start3A] : memref<2x10112x128xf32, #tpu.memory_space<hbm>> -> memref<1x632x128xf32, #tpu.memory_space<hbm>>
      %dma_start3A_16 = tpu.memref_squeeze %dma_start3A_15 : memref<1x632x128xf32, #tpu.memory_space<hbm>> -> memref<632x128xf32, #tpu.memory_space<hbm>>
      %dma_start3A_17 = arith.constant 0 : i32
      %dma_start3A_18 = tpu.memref_slice %arg10[%mul3A_12, %dma_start3A_17] : memref<10112x128xf32, #tpu.memory_space<vmem_shared>> -> memref<632x128xf32, #tpu.memory_space<vmem_shared>>
      tpu.enqueue_dma source(%dma_start3A_18 : memref<632x128xf32, #tpu.memory_space<vmem_shared>>) target(%dma_start3A_16 : memref<632x128xf32, #tpu.memory_space<hbm>>) target_semaphore(%run_scoped3A : memref<!tpu.dma_semaphore, #tpu.memory_space<semaphore_mem>>)
      %dma_wait3A = arith.constant 0 : i32
      %dma_wait3A_19 = tpu.memref_slice %arg6[%arg0, %mul3A_14, %dma_wait3A] : memref<2x10112x128xf32, #tpu.memory_space<hbm>> -> memref<1x632x128xf32, #tpu.memory_space<hbm>>
      %dma_wait3A_20 = tpu.memref_squeeze %dma_wait3A_19 : memref<1x632x128xf32, #tpu.memory_space<hbm>> -> memref<632x128xf32, #tpu.memory_space<hbm>>
      %dma_wait3A_21 = arith.constant 0 : i32
      %dma_wait3A_22 = tpu.memref_slice %arg10[%mul3A_12, %dma_wait3A_21] : memref<10112x128xf32, #tpu.memory_space<vmem_shared>> -> memref<632x128xf32, #tpu.memory_space<vmem_shared>>
      tpu.wait_dma2 semaphore(%run_scoped3A : memref<!tpu.dma_semaphore, #tpu.memory_space<semaphore_mem>>) src(%dma_wait3A_22 : memref<632x128xf32, #tpu.memory_space<vmem_shared>>) dst(%dma_wait3A_20 : memref<632x128xf32, #tpu.memory_space<hbm>>)
      tpu.yield
    }) : () -> ()
    return
  }
}

module attributes {stable_mosaic.version = 14 : i64} {
  func.func @_dense_body(%arg0: memref<2x10112x128xf32, #tpu.memory_space<vmem>>, %arg1: memref<2x10112x128xf32, #tpu.memory_space<vmem>>, %arg2: memref<10000x128xf32, #tpu.memory_space<vmem>>, %arg3: memref<128x128xf32, #tpu.memory_space<vmem>>, %arg4: memref<128x128xf32, #tpu.memory_space<vmem>>, %arg5: memref<1x128xf32, #tpu.memory_space<vmem>>, %arg6: memref<1x128xf32, #tpu.memory_space<vmem>>, %arg7: memref<1x128xf32, #tpu.memory_space<vmem>>, %arg8: memref<10000x128xf32, #tpu.memory_space<vmem>>) attributes {dimension_semantics = [], scalar_prefetch = 0 : i64, scratch_operands = 0 : i64, tpu.core_type = #tpu.core_type<tc>} {
    %get3A = arith.constant 0 : index
    %get3A_0 = arith.constant 0 : index
    %get3A_1 = arith.constant 0 : index
    %get3A_2 = vector.load %arg0[%get3A, %get3A_0, %get3A_1] : memref<2x10112x128xf32, #tpu.memory_space<vmem>>, vector<1x10000x128xf32>
    %get3A_3 = vector.shape_cast %get3A_2 : vector<1x10000x128xf32> to vector<10000x128xf32>
    %get3A_4 = arith.constant 1 : index
    %get3A_5 = arith.constant 0 : index
    %get3A_6 = arith.constant 0 : index
    %get3A_7 = vector.load %arg0[%get3A_4, %get3A_5, %get3A_6] : memref<2x10112x128xf32, #tpu.memory_space<vmem>>, vector<1x10000x128xf32>
    %get3A_8 = vector.shape_cast %get3A_7 : vector<1x10000x128xf32> to vector<10000x128xf32>
    %add3A = arith.addf %get3A_3, %get3A_8 : vector<10000x128xf32>
    %get3A_9 = arith.constant 0 : index
    %get3A_10 = arith.constant 0 : index
    %get3A_11 = arith.constant 0 : index
    %get3A_12 = vector.load %arg1[%get3A_9, %get3A_10, %get3A_11] : memref<2x10112x128xf32, #tpu.memory_space<vmem>>, vector<1x10000x1xf32>
    %get3A_13 = vector.shape_cast %get3A_12 : vector<1x10000x1xf32> to vector<10000x1xf32>
    %get3A_14 = arith.constant 1 : index
    %get3A_15 = arith.constant 0 : index
    %get3A_16 = arith.constant 0 : index
    %get3A_17 = vector.load %arg1[%get3A_14, %get3A_15, %get3A_16] : memref<2x10112x128xf32, #tpu.memory_space<vmem>>, vector<1x10000x1xf32>
    %get3A_18 = vector.shape_cast %get3A_17 : vector<1x10000x1xf32> to vector<10000x1xf32>
    %add3A_19 = arith.addf %get3A_13, %get3A_18 : vector<10000x1xf32>
    %jit3A = arith.constant 1.000000e+00 : f32
    %max3A = vector.broadcast %jit3A : f32 to vector<10000x1xf32>
    %max3A_20 = arith.maximumf %max3A, %add3A_19 : vector<10000x1xf32>
    %div3A = vector.broadcast %max3A_20 : vector<10000x1xf32> to vector<10000x128xf32>
    %div3A_21 = arith.divf %add3A, %div3A : vector<10000x128xf32>
    %get3A_22 = arith.constant 0 : index
    %get3A_23 = arith.constant 0 : index
    %get3A_24 = vector.load %arg3[%get3A_22, %get3A_23] : memref<128x128xf32, #tpu.memory_space<vmem>>, vector<128x128xf32>
    %dot_general3A = arith.constant dense<0.000000e+00> : vector<10000x128xf32>
    %dot_general3A_25 = tpu.matmul %div3A_21, %get3A_24, %dot_general3A {dimension_numbers = #tpu.dot_dimension_numbers<[1], [0], [0], [1], [0, 0, 1, 1], [], []>, transpose_lhs_hint = false} : vector<10000x128xf32>, vector<128x128xf32>, vector<10000x128xf32> -> vector<10000x128xf32>
    %get3A_26 = arith.constant 0 : index
    %get3A_27 = arith.constant 0 : index
    %get3A_28 = vector.load %arg5[%get3A_26, %get3A_27] : memref<1x128xf32, #tpu.memory_space<vmem>>, vector<1x128xf32>
    %add3A_29 = vector.broadcast %get3A_28 : vector<1x128xf32> to vector<10000x128xf32>
    %add3A_30 = arith.addf %dot_general3A_25, %add3A_29 : vector<10000x128xf32>
    %get3A_31 = arith.constant 0 : index
    %get3A_32 = arith.constant 0 : index
    %get3A_33 = vector.load %arg2[%get3A_31, %get3A_32] : memref<10000x128xf32, #tpu.memory_space<vmem>>, vector<10000x128xf32>
    %get3A_34 = arith.constant 0 : index
    %get3A_35 = arith.constant 0 : index
    %get3A_36 = vector.load %arg4[%get3A_34, %get3A_35] : memref<128x128xf32, #tpu.memory_space<vmem>>, vector<128x128xf32>
    %dot_general3A_37 = arith.constant dense<0.000000e+00> : vector<10000x128xf32>
    %dot_general3A_38 = tpu.matmul %get3A_33, %get3A_36, %dot_general3A_37 {dimension_numbers = #tpu.dot_dimension_numbers<[1], [0], [0], [1], [0, 0, 1, 1], [], []>, transpose_lhs_hint = false} : vector<10000x128xf32>, vector<128x128xf32>, vector<10000x128xf32> -> vector<10000x128xf32>
    %add3A_39 = arith.addf %add3A_30, %dot_general3A_38 : vector<10000x128xf32>
    %swap3A = arith.constant 0 : index
    %swap3A_40 = arith.constant 0 : index
    %swap3A_41 = vector.load %arg8[%swap3A, %swap3A_40] : memref<10000x128xf32, #tpu.memory_space<vmem>>, vector<10000x128xf32>
    tpu.vector_store %arg8[%swap3A, %swap3A_40], %add3A_39 {strides = array<i32>} : memref<10000x128xf32, #tpu.memory_space<vmem>>, vector<10000x128xf32>,
    return
  }
}

module attributes {stable_mosaic.version = 14 : i64} {
  func.func @_dense_body(%arg0: memref<2x10112x128xf32, #tpu.memory_space<vmem>>, %arg1: memref<2x10112x128xf32, #tpu.memory_space<vmem>>, %arg2: memref<10000x128xf32, #tpu.memory_space<vmem>>, %arg3: memref<128x128xf32, #tpu.memory_space<vmem>>, %arg4: memref<128x128xf32, #tpu.memory_space<vmem>>, %arg5: memref<1x128xf32, #tpu.memory_space<vmem>>, %arg6: memref<1x128xf32, #tpu.memory_space<vmem>>, %arg7: memref<1x128xf32, #tpu.memory_space<vmem>>, %arg8: memref<10000x128xf32, #tpu.memory_space<vmem>>) attributes {dimension_semantics = [], scalar_prefetch = 0 : i64, scratch_operands = 0 : i64, tpu.core_type = #tpu.core_type<tc>} {
    %get3A = arith.constant 0 : index
    %get3A_0 = arith.constant 0 : index
    %get3A_1 = arith.constant 0 : index
    %get3A_2 = vector.load %arg0[%get3A, %get3A_0, %get3A_1] : memref<2x10112x128xf32, #tpu.memory_space<vmem>>, vector<1x10000x128xf32>
    %get3A_3 = vector.shape_cast %get3A_2 : vector<1x10000x128xf32> to vector<10000x128xf32>
    %get3A_4 = arith.constant 1 : index
    %get3A_5 = arith.constant 0 : index
    %get3A_6 = arith.constant 0 : index
    %get3A_7 = vector.load %arg0[%get3A_4, %get3A_5, %get3A_6] : memref<2x10112x128xf32, #tpu.memory_space<vmem>>, vector<1x10000x128xf32>
    %get3A_8 = vector.shape_cast %get3A_7 : vector<1x10000x128xf32> to vector<10000x128xf32>
    %add3A = arith.addf %get3A_3, %get3A_8 : vector<10000x128xf32>
    %get3A_9 = arith.constant 0 : index
    %get3A_10 = arith.constant 0 : index
    %get3A_11 = arith.constant 0 : index
    %get3A_12 = vector.load %arg1[%get3A_9, %get3A_10, %get3A_11] : memref<2x10112x128xf32, #tpu.memory_space<vmem>>, vector<1x10000x1xf32>
    %get3A_13 = vector.shape_cast %get3A_12 : vector<1x10000x1xf32> to vector<10000x1xf32>
    %get3A_14 = arith.constant 1 : index
    %get3A_15 = arith.constant 0 : index
    %get3A_16 = arith.constant 0 : index
    %get3A_17 = vector.load %arg1[%get3A_14, %get3A_15, %get3A_16] : memref<2x10112x128xf32, #tpu.memory_space<vmem>>, vector<1x10000x1xf32>
    %get3A_18 = vector.shape_cast %get3A_17 : vector<1x10000x1xf32> to vector<10000x1xf32>
    %add3A_19 = arith.addf %get3A_13, %get3A_18 : vector<10000x1xf32>
    %jit3A = arith.constant 1.000000e+00 : f32
    %max3A = vector.broadcast %jit3A : f32 to vector<10000x1xf32>
    %max3A_20 = arith.maximumf %max3A, %add3A_19 : vector<10000x1xf32>
    %div3A = vector.broadcast %max3A_20 : vector<10000x1xf32> to vector<10000x128xf32>
    %div3A_21 = arith.divf %add3A, %div3A : vector<10000x128xf32>
    %get3A_22 = arith.constant 0 : index
    %get3A_23 = arith.constant 0 : index
    %get3A_24 = vector.load %arg3[%get3A_22, %get3A_23] : memref<128x128xf32, #tpu.memory_space<vmem>>, vector<128x128xf32>
    %dot_general3A = arith.constant dense<0.000000e+00> : vector<10000x128xf32>
    %dot_general3A_25 = tpu.matmul %div3A_21, %get3A_24, %dot_general3A {dimension_numbers = #tpu.dot_dimension_numbers<[1], [0], [0], [1], [0, 0, 1, 1], [], []>, transpose_lhs_hint = false} : vector<10000x128xf32>, vector<128x128xf32>, vector<10000x128xf32> -> vector<10000x128xf32>
    %get3A_26 = arith.constant 0 : index
    %get3A_27 = arith.constant 0 : index
    %get3A_28 = vector.load %arg5[%get3A_26, %get3A_27] : memref<1x128xf32, #tpu.memory_space<vmem>>, vector<1x128xf32>
    %add3A_29 = vector.broadcast %get3A_28 : vector<1x128xf32> to vector<10000x128xf32>
    %add3A_30 = arith.addf %dot_general3A_25, %add3A_29 : vector<10000x128xf32>
    %get3A_31 = arith.constant 0 : index
    %get3A_32 = arith.constant 0 : index
    %get3A_33 = vector.load %arg2[%get3A_31, %get3A_32] : memref<10000x128xf32, #tpu.memory_space<vmem>>, vector<10000x128xf32>
    %get3A_34 = arith.constant 0 : index
    %get3A_35 = arith.constant 0 : index
    %get3A_36 = vector.load %arg4[%get3A_34, %get3A_35] : memref<128x128xf32, #tpu.memory_space<vmem>>, vector<128x128xf32>
    %dot_general3A_37 = arith.constant dense<0.000000e+00> : vector<10000x128xf32>
    %dot_general3A_38 = tpu.matmul %get3A_33, %get3A_36, %dot_general3A_37 {dimension_numbers = #tpu.dot_dimension_numbers<[1], [0], [0], [1], [0, 0, 1, 1], [], []>, transpose_lhs_hint = false} : vector<10000x128xf32>, vector<128x128xf32>, vector<10000x128xf32> -> vector<10000x128xf32>
    %add3A_39 = arith.addf %add3A_30, %dot_general3A_38 : vector<10000x128xf32>
    %reduce_sum3A = arith.constant dense<0.000000e+00> : vector<128xf32>
    %reduce_sum3A_40 = vector.multi_reduction <add>, %add3A_39, %reduce_sum3A [0] : vector<10000x128xf32> to vector<128xf32>
    %broadcast_in_dim3A = vector.shape_cast %reduce_sum3A_40 : vector<128xf32> to vector<1x128xf32>
    %div3A_41 = arith.constant 1.000000e+04 : f32
    %div3A_42 = vector.broadcast %div3A_41 : f32 to vector<1x128xf32>
    %div3A_43 = arith.divf %broadcast_in_dim3A, %div3A_42 : vector<1x128xf32>
    %sub3A = vector.broadcast %div3A_43 : vector<1x128xf32> to vector<10000x128xf32>
    %sub3A_44 = arith.subf %add3A_39, %sub3A : vector<10000x128xf32>
    %integer_pow3A = arith.mulf %sub3A_44, %sub3A_44 : vector<10000x128xf32>
    %reduce_sum3A_45 = arith.constant dense<0.000000e+00> : vector<128xf32>
    %reduce_sum3A_46 = vector.multi_reduction <add>, %integer_pow3A, %reduce_sum3A_45 [0] : vector<10000x128xf32> to vector<128xf32>
    %broadcast_in_dim3A_47 = vector.shape_cast %reduce_sum3A_46 : vector<128xf32> to vector<1x128xf32>
    %div3A_48 = arith.constant 1.000000e+04 : f32
    %div3A_49 = vector.broadcast %div3A_48 : f32 to vector<1x128xf32>
    %div3A_50 = arith.divf %broadcast_in_dim3A_47, %div3A_49 : vector<1x128xf32>
    %get3A_51 = arith.constant 0 : index
    %get3A_52 = arith.constant 0 : index
    %get3A_53 = vector.load %arg6[%get3A_51, %get3A_52] : memref<1x128xf32, #tpu.memory_space<vmem>>, vector<1x128xf32>
    %sub3A_54 = vector.broadcast %div3A_43 : vector<1x128xf32> to vector<10000x128xf32>
    %sub3A_55 = arith.subf %add3A_39, %sub3A_54 : vector<10000x128xf32>
    %mul3A = vector.broadcast %get3A_53 : vector<1x128xf32> to vector<10000x128xf32>
    %mul3A_56 = arith.mulf %mul3A, %sub3A_55 : vector<10000x128xf32>
    %add3A_57 = arith.constant 9.99999974E-6 : f32
    %add3A_58 = vector.broadcast %add3A_57 : f32 to vector<1x128xf32>
    %add3A_59 = arith.addf %div3A_50, %add3A_58 : vector<1x128xf32>
    %sqrt3A = math.sqrt %add3A_59 : vector<1x128xf32>
    %div3A_60 = vector.broadcast %sqrt3A : vector<1x128xf32> to vector<10000x128xf32>
    %div3A_61 = arith.divf %mul3A_56, %div3A_60 : vector<10000x128xf32>
    %get3A_62 = arith.constant 0 : index
    %get3A_63 = arith.constant 0 : index
    %get3A_64 = vector.load %arg7[%get3A_62, %get3A_63] : memref<1x128xf32, #tpu.memory_space<vmem>>, vector<1x128xf32>
    %add3A_65 = vector.broadcast %get3A_64 : vector<1x128xf32> to vector<10000x128xf32>
    %add3A_66 = arith.addf %div3A_61, %add3A_65 : vector<10000x128xf32>
    %ge3A = arith.constant 0.000000e+00 : f32
    %ge3A_67 = vector.broadcast %ge3A : f32 to vector<10000x128xf32>
    %ge3A_68 = arith.cmpf oge, %add3A_66, %ge3A_67 : vector<10000x128xf32>
    %mul3A_69 = arith.constant 0.00999999977 : f32
    %mul3A_70 = vector.broadcast %mul3A_69 : f32 to vector<10000x128xf32>
    %mul3A_71 = arith.mulf %mul3A_70, %add3A_66 : vector<10000x128xf32>
    %select_n3A = arith.select %ge3A_68, %add3A_66, %mul3A_71 : vector<10000x128xi1>, vector<10000x128xf32>
    %swap3A = arith.constant 0 : index
    %swap3A_72 = arith.constant 0 : index
    %swap3A_73 = vector.load %arg8[%swap3A, %swap3A_72] : memref<10000x128xf32, #tpu.memory_space<vmem>>, vector<10000x128xf32>
    tpu.vector_store %arg8[%swap3A, %swap3A_72], %select_n3A {strides = array<i32>} : memref<10000x128xf32, #tpu.memory_space<vmem>>, vector<10000x128xf32>,
    return
  }
}

</mosaic_0001>

<sc_bundles>
// kernel: kernel.12.cloned.1.call-start
scs
__scs_entry_jumppad:
0x0: {  	(pc) =	sbr.rel $0x88, $3  }
0x1: {  	(tag) =	ssettag $0x0;
	lr =	simm.s32 $0x1  }
0x2: {  	[smem:$0x3F92] =	sst lr;
	_ =	strace $0xD0000000  }
0x3: {  	_ = 	snop  }
0x4: {  	_ = 	snop  }
0x5: {  	_ = 	snop  }
0x6: {  	_ = 	snop  }
0x7: {  	_ = 	snop  }
__scs_overlays_trampoline_lowered:
0x8: {  	[smem:$0x3FA1] =	sst s0  }
0x9: {  	[smem:$0x3FA2] =	sst s1  }
0xa: {  	[smem:$0x3FA3] =	sst s2  }
0xb: {  	[smem:$0x3FA4] =	sst s3  }
0xc: {  	[smem:$0x3FA5] =	sst s4  }
0xd: {  	[smem:$0x3FA6] =	sst s5  }
0xe: {  	[smem:$0x3FA7] =	sst s6  }
0xf: {  	[smem:$0x3FA8] =	sst s7  }
0x10: {  	[smem:$0x3FA9] =	sst s8  }
0x11: {  	[smem:$0x3FAA] =	sst s9;
	s0 =	simm.s32 @!p0 $0x0  }
0x12: {  	s1 =	sld [smem:$0x3F90];
	s0 =	simm.s32 @p0 $0x1  }
0x13: {  	[smem:$0x3FAB] =	sst s0;
	s0 =	simm.s32 @!p1 $0x0  }
0x14: {  	s2 =	sld [smem:$0x3F8F];
	s0 =	simm.s32 @p1 $0x1  }
0x15: {  	[smem:$0x3FAC] =	sst s0;
	s0 =	simm.s32 @!p2 $0x0  }
0x16: {  	s3 =	sld [smem:$0x3FDB];
	s0 =	simm.s32 @p2 $0x1  }
0x17: {  	s4 =	simm.s32 $0x1BF5;
	[smem:$0x3FAE] =	sst s0  }
0x18: {  	s0 =	sld [smem:$0x3F91];
	_ =	swait.ge [sflag:s4], $0x0  }
0x19: {  	s7 =	sld [smem:$0x3F92]  }
0x1a: {  	s8 =	sadd.s32 $0xFFFFE003, lr  }
0x1b: {  	s9 =	sadd.s32 $0xFFFFFEF7, lr;
	s5 =	simm.s32 $0xFFFFFFFF;
	p2 =	slt.u32 s8, $0xFFFFF086  }
0x1c: {  	p1 =	slt.u32 s9, $0xF7A;
	s5 =	simm.s32 @!p2 $0x0  }
0x1d: {  	s5 =	simm.s32 @p1 $0x1;
	p0 =	seq.s32 s7, s2  }
0x1e: {  	s7 =	smul.u32 @!p0 $0xF7A, s2;
	p2 =	seq.s32 @!p0 s5, $0x0  }
0x1f: {  	s9 =	smul.u32 $0xF7A, s1;
	s8 =	simm.s32 @!p0 $0x1BF5;
	p2 =	por !p2, p0  }
0x20: {  	[sflag:s8] =	ssyncset.s32 @!p0 $0xFFFFF086;
	s6 =	sadd.s32 @!p0 s3, s7;
	s7 =	simm.s32 @!p0 $0x108  }
0x21: {  	s3 =	sadd.s32 s3, s9;
	s6 =	sadd.s32 @!p0 $0x88, s6;
	s7 =	simm.s32 @p2 $0x1082  }
0x22: {  	[simem:s7], [sflag:s8] =	dma.local @!p0 [hbm:s6], $0xF7A  }
0x23: {  	s9 =	sor.u32 $0xD0000000, s2;
	s6 =	simm.s32 $0x108;
	_ =	swait.ge @!p0 [sflag:s8], $0x0  }
0x24: {  	s3 =	sadd.s32 $0x88, s3;
	s6 =	simm.s32 @!p1 $0x1082;
	[sflag:s4] =	ssyncset.s32 $0xFFFFF086  }
0x25: {  	[simem:s6], [sflag:s4] =	dma.local [hbm:s3], $0xF7A  }
0x26: {  	[smem:$0x3F92] =	sst s1;
	(tag) =	ssettag s2;
	_ =	strace s9  }
0x27: {  	s1 =	sld [smem:$0x3FA2]  }
0x28: {  	s2 =	sld [smem:$0x3FA3]  }
0x29: {  	s4 =	sld [smem:$0x3FA5]  }
0x2a: {  	p0 =	seq.s32 s5, $0x0;
	s5 =	sld [smem:$0x3FA6]  }
0x2b: {  	s6 =	sld [smem:$0x3FA7]  }
0x2c: {  	s7 =	sld [smem:$0x3FA8]  }
0x2d: {  	s3 =	simm.s32 $0x108;
	s8 =	sld [smem:$0x3FA9]  }
0x2e: {  	s3 =	simm.s32 @!p0 $0x1082;
	s9 =	sld [smem:$0x3FAA]  }
0x2f: {  	lr =	sadd.s32 s0, s3;
	s0 =	sld [smem:$0x3FA1]  }
0x30: {  	s3 =	sld [smem:$0x3FA4]  }
0x31: {  	[smem:$0x3FAD] =	sst s10  }
0x32: {  	s10 =	sld [smem:$0x3FAB];
	_ =	sdelay $0x3  }
0x33: {  	p0 =	seq.s32 s10, $0x1;
	s10 =	sld [smem:$0x3FAD];
	_ =	sdelay $0x3  }
0x34: {  	[smem:$0x3FAD] =	sst s10  }
0x35: {  	s10 =	sld [smem:$0x3FAC];
	_ =	sdelay $0x3  }
0x36: {  	p1 =	seq.s32 s10, $0x1;
	s10 =	sld [smem:$0x3FAD];
	_ =	sdelay $0x3  }
0x37: {  	[smem:$0x3FAD] =	sst s10  }
0x38: {  	s10 =	sld [smem:$0x3FAE]  }
0x39: {  	_ = 	snop;
	(pc) =	sbr.ind lr, $3  }
0x3a: {  	_ = 	snop  }
0x3b: {  	_ = 	snop  }
0x3c: {  	p2 =	seq.s32 s10, $0x1;
	s10 =	sld [smem:$0x3FAD]  }
0x3d: {  	_ =	shalt  }
0x3e: {  	_ =	shalt  }
0x3f: {  	_ =	shalt  }
0x40: {  	_ =	shalt  }
0x41: {  	_ =	shalt  }
0x42: {  	_ =	shalt  }
0x43: {  	_ =	shalt  }
0x44: {  	_ =	shalt  }
0x45: {  	_ =	shalt  }
0x46: {  	_ =	shalt  }
0x47: {  	_ =	shalt  }
0x48: {  	_ =	shalt  }
0x49: {  	_ =	shalt  }
0x4a: {  	_ =	shalt  }
0x4b: {  	_ =	shalt  }
0x4c: {  	_ =	shalt  }
0x4d: {  	_ =	shalt  }
0x4e: {  	_ =	shalt  }
0x4f: {  	_ =	shalt  }
0x50: {  	_ =	shalt  }
0x51: {  	_ =	shalt  }
0x52: {  	_ =	shalt  }
0x53: {  	_ =	shalt  }
0x54: {  	_ =	shalt  }
0x55: {  	_ =	shalt  }
0x56: {  	_ =	shalt  }
0x57: {  	_ =	shalt  }
0x58: {  	_ =	shalt  }
0x59: {  	_ =	shalt  }
0x5a: {  	_ =	shalt  }
0x5b: {  	_ =	shalt  }
0x5c: {  	_ =	shalt  }
0x5d: {  	_ =	shalt  }
0x5e: {  	_ =	shalt  }
0x5f: {  	_ =	shalt  }
0x60: {  	_ =	shalt  }
0x61: {  	_ =	shalt  }
0x62: {  	_ =	shalt  }
0x63: {  	_ =	shalt  }
0x64: {  	_ =	shalt  }
0x65: {  	_ =	shalt  }
0x66: {  	_ =	shalt  }
0x67: {  	_ =	shalt  }
0x68: {  	_ =	shalt  }
0x69: {  	_ =	shalt  }
0x6a: {  	_ =	shalt  }
0x6b: {  	_ =	shalt  }
0x6c: {  	_ =	shalt  }
0x6d: {  	_ =	shalt  }
0x6e: {  	_ =	shalt  }
0x6f: {  	_ =	shalt  }
0x70: {  	_ =	shalt  }
0x71: {  	_ =	shalt  }
0x72: {  	_ =	shalt  }
0x73: {  	_ =	shalt  }
0x74: {  	_ =	shalt  }
0x75: {  	_ =	shalt  }
0x76: {  	_ =	shalt  }
0x77: {  	_ =	shalt  }
0x78: {  	_ =	shalt  }
0x79: {  	_ =	shalt  }
0x7a: {  	_ =	shalt  }
0x7b: {  	_ =	shalt  }
0x7c: {  	_ =	shalt  }
0x7d: {  	_ =	shalt  }
0x7e: {  	_ =	shalt  }
0x7f: {  	_ =	shalt  }
0x80: {  	_ =	shalt  }
0x81: {  	_ =	shalt  }
0x82: {  	_ =	shalt  }
0x83: {  	_ =	shalt  }
0x84: {  	_ =	shalt  }
0x85: {  	_ =	shalt  }
0x86: {  	_ =	shalt  }
0x87: {  	_ =	shalt  }
.Lfunc_end0:
.L_simem_size_0:
called_computation.1_lowered:
.L_overlay_start_0:
0x88: {  	s2 =	sld [smem:$0x3FD9]  }
0x89: {  	s3 =	sld [smem:$0x3FFE];
	_ =	sdelay $0x1  }
0x8a: {  	s1 =	srdreg.scid  }
0x8b: {  	s0 =	sand.u32 $0x1, s1  }
0x8c: {  	s17 =	sshll.u32 s0, $0xA;
	s2 =	sadd.s32 s3, s2  }
0x8d: {  	s2 =	sadd.s32 s2, s17  }
0x8e: {  	[smem:$0x3FB9] =	sst s2  }
0x8f: {  	_ = 	snop  }
0x90: {  	s2 =	sld [smem:$0x3FC9];
	(tm) =	ssettm $0x1  }
0x91: {  	s18 =	sld [smem:$0x3FFB];
	_ =	sdelay $0x3  }
0x92: {  	_ =	strace s18  }
0x93: {  	s3 =	sld [smem:$0x3FFC];
	_ =	sdelay $0x3  }
0x94: {  	_ =	strace s3  }
0x95: {  	s3 =	sld [smem:$0x3FFD];
	_ =	sdelay $0x3  }
0x96: {  	_ =	strace s3  }
0x97: {  	_ =	strace $0x8FFFFFFF  }
0x98: {  	s19 =	sld [smem:$0x3FDB];
	_ =	sdelay $0x1  }
0x99: {  	s4 =	simm.s32 $_scs_section_size  }
0x9a: {  	s5 =	simm.s32 $_size__tile_overlayer_lowered;
	s6 =	simm.s32 $_tile_overlayer_lowered  }
0x9b: {  	s22 =	simm.s32 $0x1BFF;
	s21 =	sshll.u32 s6, $0x1;
	s3 =	sadd.s32 s4, s19  }
0x9c: {  	s7 =	simm.s32 $0x0;
	s20 =	sshll.u32 s5, $0x1;
	s5 =	sadd.s32 s21, s3  }
0x9d: {  	[timem:s7], [sflag:s22] =	dma.local [hbm:s5], s20  }
0x9e: {  	_ =	swait.ge [sflag:s22], s20  }
0x9f: {  	s4 =	ssub.s32 $0x0, s20;
	[sflag:s22] =	ssyncset.done $0x0  }
0xa0: {  	[sflag:s22] =	ssyncadd.s32 s4;
	_ =	sdelay $0x1  }
0xa1: {  	s23 =	simm.s32 $0x1B8B  }
0xa2: {  	_ =	swait.ge [sflag:s23], $0x1  }
0xa3: {  	[sflag:s23] =	ssyncset.done $0x0  }
0xa4: {  	s25 =	simm.s32 $0x1B8E;
	s24 =	sld [smem:$0x3FFE];
	[sflag:s23] =	ssyncadd.s32 $0xFFFFFFFF  }
0xa5: {  	s26 =	simm.s32 $execute0_lowered;
	[smem:$0x3FD2] =	sst s25  }
0xa6: {  	s5 =	sshll.u32 s26, $0x1;
	_ =	strace $0x80000046;
	[dreg:$0x1] =	wrdreg $0xFFFFFFFF  }
0xa7: {  	s28 =	simm.s32 $_size_execute0_lowered;
	s3 =	sadd.s32 s3, s5;
	[dreg:$0x0] =	wrdreg $0x0  }
0xa8: {  	s5 =	sshll.u32 s28, $0x1;
	[dreg:$0x2] =	wrdreg s3  }
0xa9: {  	[dreg:$0x3] =	wrdreg s5  }
0xaa: {  	[dreg:$0x4] =	wrdreg $0xC0  }
0xab: {  	_ =	task [dreg:s7], $0x5FFFF  }
0xac: {  	[dreg:$0x1] =	wrdreg $0xFFFFFFFF  }
0xad: {  	[dreg:$0x0] =	wrdreg $0x60  }
0xae: {  	[dreg:$0x2] =	wrdreg s2  }
0xaf: {  	[dreg:$0x3] =	wrdreg s24  }
0xb0: {  	[dreg:$0x4] =	wrdreg $0x90000  }
0xb1: {  	[dreg:$0x5] =	wrdreg $0xA  }
0xb2: {  	_ =	task.clear_ibuf [dreg:s7], $0x6FFFF;
	_ =	strace $0x90000046  }
0xb3: {  	s29 =	simm.s32 $0xA;
	_ =	strace $0x80000048  }
0xb4: {  	_ =	swait.ge [sflag:s29], $0x1  }
0xb5: {  	[sflag:s29] =	ssyncadd.s32 $0xFFFFFFFF  }
0xb6: {  	_ =	strace $0x90000048  }
0xb7: {  	_ =	sfence  }
0xb8: {  	s30 =	sld [smem:$0x0];
	_ =	sdelay $0x2  }
0xb9: {  	s31 =	sshll.u32 s1, $0xD;
	s1 =	sshrl.u32 s1, $0x2  }
0xba: {  	s3 =	sand.u32 $0x4000, s31;
	s1 =	sadd.s32 s1, s30  }
0xbb: {  	s0 =	sor.u32 s3, s0;
	s1 =	sshll.u32 s1, $0x11  }
0xbc: {  	s0 =	sor.u32 s1, s0  }
0xbd: {  	s0 =	sadd.s32 $0x8F2B, s0  }
0xbe: {  	[sflag:s0] =	ssyncadd.remote.s32 $0x1  }
0xbf: {  	_ =	sfence.sel $0xFFFF  }
0xc0: {  	[dreg:$0x0] =	wrdreg $0xFFFFFFFF;
	(pc) =	sbr.abs _section_cstart, $3  }
0xc1: {  	[dreg:$0x1] =	wrdreg $0xFFFFFFFF  }
0xc2: {  	_ =	task.clear_ibuf [dreg:s7], $0x2FFFF;
	_ =	strace $0x9FFFFFFF  }
0xc3: {  	(tm) =	ssettm $0x7FFFFFFF  }
tec
execute0_lowered:
.L_overlay_start_1:
0x0: {  	(tag) =	ssettag $0x1  }
0x1: {  	s1 =	rddreg [dreg:$0x0]  }
0x2: {  	s6 =	rddreg [dreg:$0x1]  }
0x3: {  	s0 =	srdreg.scid;
	s3 =	rddreg [dreg:$0x2];
	s4 =	simm.s32 $0x0  }
0x4: {  	s14 =	simm.s32 $0x80;
	s5 =	sand.u32 $0x1, s0;
	s0 =	stileid.u32  }
0x5: {  	s15 =	simm.s32 $0x5000;
	s16 =	simm.s32 $0x1;
	s8 =	smul.u32 $0x13C00, s0  }
0x6: {  	s17 =	simm.s32 $0x0;
	[smem:$0x7FF] =	sst s4;
	s9 =	smul.u32 $0x13C000, s5  }
0x7: {  	s2 =	sshll.u32 s5, $0x4;
	s5 =	ssub.s32 $0x2, s5;
	s29 =	smul.u32 $0x4F000, s0  }
0x8: {  	s31 =	sshll.u32 s0, $0x6;
	s2 =	sor.u32 s0, s2;
	s11 =	sshrl.u32 s5, $0x1  }
0x9: {  	s7 =	smul.u32 $0x500, s2;
	s2 =	rddreg [dreg:$0x3];
	_ =	strace $0x80000047  }
0xa: {  	s28 =	sshrl.u32 s8, $0x3;
	s8 =	sadd.s32 s8, s9;
	s30 =	sshrl.u32 s29, $0x2  }
0xb: {  	s11 =	ssub.s32 s5, s11;
	s8 =	sshrl.u32 s8, $0x3;
	s13 =	sadd.s32 s30, s3  }
0xc: {  	s10 =	sadd.s32 s7, s6;
	s7 =	sadd.s32 s28, s6;
	s12 =	sadd.s32 s8, s6  }
0xd: {  	s6 =	sor.u32 $0x1C02, s31;
	s5 =	sadd.s32 $0x17800, s7;
	s7 =	sadd.s32 $0xD800, s10  }
0xe: {  	s8 =	sadd.s32 $0x3800, s10;
	s9 =	sadd.s32 $0x3F000, s12;
	s10 =	smax.u32 s11, $0x1  }
0xf: {  	s11 =	sshrl.u32 s13, $0x3;
	s12 =	simm.s32 $0x2;
	s13 =	simm.s32 $0x2800  }
.LBB2_1:
0x10: {  	[spmem:s11], [sflag:s6] =	dma.local [hbm:s5], $0x2780  }
0x11: {  	_ =	swait.ge [sflag:s12], $0x2780  }
0x12: {  	[sflag:s12] =	ssyncset.done $0x0  }
0x13: {  	[sflag:s12] =	ssyncadd.s32 $0xFFFFD880  }
0x14: {  	[tilespmem:s4], [sflag:$0x2] =	stream.linear.gather [hbm4b:s7+s4], $0x2780, $0x38;
	[tilespmem:$0x1CC00] =	vst v63  }
0x15: {  	_ =	swait.ge [sflag:s12], $0x2780  }
0x16: {  	[sflag:s12] =	ssyncset.done $0x0  }
0x17: {  	[sflag:s12] =	ssyncadd.s32 $0xFFFFD880  }
0x18: {  	[tilespmem:s13], [sflag:$0x2] =	stream.linear.gather [hbm4b:s8+s4], $0x2780, $0x38;
	[tilespmem:$0x1CC00] =	vst v63  }
0x19: {  	_ =	swait.ge [sflag:s12], $0x2780  }
0x1a: {  	[sflag:s12] =	ssyncset.done $0x0  }
0x1b: {  	[sflag:s12] =	ssyncadd.s32 $0xFFFFD880  }
0x1c: {  	s18 =	simm.s32 $0x0;
	[bflag:$0x0] =	sbarrier.arrive $0xFFFF  }
0x1d: {  	[tilespmem:s15], [sflag:$0x1] =	stream.indirect.gather [hbm4b:s1+s14], $0x80, s18, s14, $0xb8;
	[tilespmem:$0x1CC00] =	vst v63  }
0x1e: {  	_ =	swait.ge [sflag:s16], $0x4000  }
0x1f: {  	[sflag:s16] =	ssyncset.done $0x0  }
0x20: {  	s31 =	simm.s32 $0x2800;
	[sflag:s16] =	ssyncadd.s32 $0xFFFFC000  }
0x21: {  	[spmem:s3] =	stream.indirect.scatter.add.f32 [tilespmem:s15], [sflag:$0x2], $0x80, s31, s14, $0xb8;
	[tilespmem:$0x1CC00] =	vst v63  }
0x22: {  	_ =	swait.ge [sflag:s12], $0x4000  }
0x23: {  	s19 =	simm.s32 $0x400;
	s18 =	simm.s32 $0x200;
	[sflag:s12] =	ssyncset.done $0x0  }
.LBB2_2:
0x24: {  	s20 =	sshra.s32 s18, $0x2  }
0x25: {  	[sflag:s12] =	ssyncadd.s32 $0xFFFFC000;
	s18 =	smov.u32 s19;
	s21 =	sadd.s32 $0x200, s19  }
0x26: {  	[tilespmem:s15], [sflag:$0x1] =	stream.indirect.gather [hbm4b:s1+s14], $0x80, s20, s14, $0xb8;
	[tilespmem:$0x1CC00] =	vst v63  }
0x27: {  	p0 =	sne.s32 s19, $0x9C00;
	_ =	swait.ge [sflag:s16], $0x4000  }
.Ltmp0:
0x28: {  	[sflag:s16] =	ssyncset.done $0x0;
	(pc) =	sbr.rel @p0 .LBB2_2-.Ltmp0, $4  }
0x29: {  	s19 =	sadd.s32 $0x2800, s20;
	[sflag:s16] =	ssyncadd.s32 $0xFFFFC000  }
0x2a: {  	[spmem:s3] =	stream.indirect.scatter.add.f32 [tilespmem:s15], [sflag:$0x2], $0x80, s19, s14, $0xb8;
	[tilespmem:$0x1CC00] =	vst v63  }
0x2b: {  	_ =	swait.ge [sflag:s12], $0x4000  }
0x2c: {  	s19 =	smov.u32 s21;
	[sflag:s12] =	ssyncset.done $0x0  }
0x2d: {  	s18 =	sshra.s32 s18, $0x2;
	[sflag:s12] =	ssyncadd.s32 $0xFFFFC000  }
0x2e: {  	[tilespmem:s15], [sflag:$0x1] =	stream.indirect.gather [hbm4b:s1+s14], $0x80, s18, s14, $0xb8;
	[tilespmem:$0x1CC00] =	vst v63  }
0x2f: {  	_ =	swait.ge [sflag:s16], $0x4000  }
0x30: {  	[sflag:s16] =	ssyncset.done $0x0  }
0x31: {  	s18 =	sadd.s32 $0x2800, s18;
	[sflag:s16] =	ssyncadd.s32 $0xFFFFC000  }
0x32: {  	[spmem:s3] =	stream.indirect.scatter.add.f32 [tilespmem:s15], [sflag:$0x2], $0x80, s18, s14, $0xb8;
	[tilespmem:$0x1CC00] =	vst v63  }
0x33: {  	_ =	swait.ge [sflag:s12], $0x4000  }
0x34: {  	s17 =	sadd.s32 $0x1, s17;
	[sflag:s12] =	ssyncset.done $0x0  }
0x35: {  	p0 =	sne.s32 s17, s10;
	[sflag:s12] =	ssyncadd.s32 $0xFFFFC000  }
.Ltmp1:
0x36: {  	[bflag:$0x0] =	sbarrier.arrive $0xFFFF;
	(pc) =	sbr.rel @p0 .LBB2_1-.Ltmp1, $4  }
0x37: {  	[hbm:s9], [sflag:s6] =	dma.local [spmem:s11], $0x2780  }
0x38: {  	_ =	swait.ge [sflag:s12], $0x2780  }
0x39: {  	[sflag:s12] =	ssyncset.done $0x0  }
0x3a: {  	[sflag:s12] =	ssyncadd.s32 $0xFFFFD880  }
0x3b: {  	_ =	sfence.sel $0x180000  }
0x3c: {  	[bflag:$0x0] =	sbarrier.arrive $0xFFFF  }
0x3d: {  	p0 =	sne.s32 s0, $0x0;
	_ =	strace $0x90000047  }
0x3e: {  	s0 =	sadd.s32 @!p0 $0x100000, s2;
	[bflag:$0x2] =	sbarrier.arrive $0xFFFF  }
0x3f: {  	[sflag:s0] =	ssyncadd.tile.s32 @!p0 $0x1;
	_ =	shalt  }
.Lfunc_end2:
_tile_overlayer_lowered:
.L_overlay_start_2:
0x40: {  	(tag) =	ssettag $0x2  }
0x41: {  	s0 =	rddreg [dreg:$0x0];
	s2 =	stileid.u32  }
0x42: {  	s1 =	rddreg [dreg:$0x1];
	p0 =	sne.s32 s2, $0x0  }
0x43: {  	s3 =	rddreg [dreg:$0x2];
	[bflag:$0x3] =	sbarrier.arrive $0xFFFF;
	s2 =	simm.s32 @!p0 $0x1C02  }
0x44: {  	[timem:s3], [sflag:s2] =	dma.local @!p0 [hbm:s0], s1  }
0x45: {  	s0 =	simm.s32 @!p0 $0x2  }
0x46: {  	_ =	swait.ge @!p0 [sflag:s0], s1  }
0x47: {  	s1 =	ssub.s32 @!p0 $0x0, s1;
	[sflag:s0] =	ssyncset.done @!p0 $0x0  }
0x48: {  	[sflag:s0] =	ssyncadd.s32 @!p0 s1  }
0x49: {  	[bflag:$0x3] =	sbarrier.arrive $0xFFFF  }
0x4a: {  	_ =	shalt  }

// kernel: kernel.15.cloned.1.call-start
scs
__scs_entry_jumppad:
0x0: {  	(pc) =	sbr.rel $0x88, $3  }
0x1: {  	(tag) =	ssettag $0x0;
	lr =	simm.s32 $0x1  }
0x2: {  	[smem:$0x3F92] =	sst lr;
	_ =	strace $0xD0000000  }
0x3: {  	_ = 	snop  }
0x4: {  	_ = 	snop  }
0x5: {  	_ = 	snop  }
0x6: {  	_ = 	snop  }
0x7: {  	_ = 	snop  }
__scs_overlays_trampoline_lowered:
0x8: {  	[smem:$0x3FA1] =	sst s0  }
0x9: {  	[smem:$0x3FA2] =	sst s1  }
0xa: {  	[smem:$0x3FA3] =	sst s2  }
0xb: {  	[smem:$0x3FA4] =	sst s3  }
0xc: {  	[smem:$0x3FA5] =	sst s4  }
0xd: {  	[smem:$0x3FA6] =	sst s5  }
0xe: {  	[smem:$0x3FA7] =	sst s6  }
0xf: {  	[smem:$0x3FA8] =	sst s7  }
0x10: {  	[smem:$0x3FA9] =	sst s8  }
0x11: {  	[smem:$0x3FAA] =	sst s9;
	s0 =	simm.s32 @!p0 $0x0  }
0x12: {  	s1 =	sld [smem:$0x3F90];
	s0 =	simm.s32 @p0 $0x1  }
0x13: {  	[smem:$0x3FAB] =	sst s0;
	s0 =	simm.s32 @!p1 $0x0  }
0x14: {  	s2 =	sld [smem:$0x3F8F];
	s0 =	simm.s32 @p1 $0x1  }
0x15: {  	[smem:$0x3FAC] =	sst s0;
	s0 =	simm.s32 @!p2 $0x0  }
0x16: {  	s3 =	sld [smem:$0x3FDB];
	s0 =	simm.s32 @p2 $0x1  }
0x17: {  	s4 =	simm.s32 $0x1BF5;
	[smem:$0x3FAE] =	sst s0  }
0x18: {  	s0 =	sld [smem:$0x3F91];
	_ =	swait.ge [sflag:s4], $0x0  }
0x19: {  	s7 =	sld [smem:$0x3F92]  }
0x1a: {  	s8 =	sadd.s32 $0xFFFFE003, lr  }
0x1b: {  	s9 =	sadd.s32 $0xFFFFFEF7, lr;
	s5 =	simm.s32 $0xFFFFFFFF;
	p2 =	slt.u32 s8, $0xFFFFF086  }
0x1c: {  	p1 =	slt.u32 s9, $0xF7A;
	s5 =	simm.s32 @!p2 $0x0  }
0x1d: {  	s5 =	simm.s32 @p1 $0x1;
	p0 =	seq.s32 s7, s2  }
0x1e: {  	s7 =	smul.u32 @!p0 $0xF7A, s2;
	p2 =	seq.s32 @!p0 s5, $0x0  }
0x1f: {  	s9 =	smul.u32 $0xF7A, s1;
	s8 =	simm.s32 @!p0 $0x1BF5;
	p2 =	por !p2, p0  }
0x20: {  	[sflag:s8] =	ssyncset.s32 @!p0 $0xFFFFF086;
	s6 =	sadd.s32 @!p0 s3, s7;
	s7 =	simm.s32 @!p0 $0x108  }
0x21: {  	s3 =	sadd.s32 s3, s9;
	s6 =	sadd.s32 @!p0 $0x88, s6;
	s7 =	simm.s32 @p2 $0x1082  }
0x22: {  	[simem:s7], [sflag:s8] =	dma.local @!p0 [hbm:s6], $0xF7A  }
0x23: {  	s9 =	sor.u32 $0xD0000000, s2;
	s6 =	simm.s32 $0x108;
	_ =	swait.ge @!p0 [sflag:s8], $0x0  }
0x24: {  	s3 =	sadd.s32 $0x88, s3;
	s6 =	simm.s32 @!p1 $0x1082;
	[sflag:s4] =	ssyncset.s32 $0xFFFFF086  }
0x25: {  	[simem:s6], [sflag:s4] =	dma.local [hbm:s3], $0xF7A  }
0x26: {  	[smem:$0x3F92] =	sst s1;
	(tag) =	ssettag s2;
	_ =	strace s9  }
0x27: {  	s1 =	sld [smem:$0x3FA2]  }
0x28: {  	s2 =	sld [smem:$0x3FA3]  }
0x29: {  	s4 =	sld [smem:$0x3FA5]  }
0x2a: {  	p0 =	seq.s32 s5, $0x0;
	s5 =	sld [smem:$0x3FA6]  }
0x2b: {  	s6 =	sld [smem:$0x3FA7]  }
0x2c: {  	s7 =	sld [smem:$0x3FA8]  }
0x2d: {  	s3 =	simm.s32 $0x108;
	s8 =	sld [smem:$0x3FA9]  }
0x2e: {  	s3 =	simm.s32 @!p0 $0x1082;
	s9 =	sld [smem:$0x3FAA]  }
0x2f: {  	lr =	sadd.s32 s0, s3;
	s0 =	sld [smem:$0x3FA1]  }
0x30: {  	s3 =	sld [smem:$0x3FA4]  }
0x31: {  	[smem:$0x3FAD] =	sst s10  }
0x32: {  	s10 =	sld [smem:$0x3FAB];
	_ =	sdelay $0x3  }
0x33: {  	p0 =	seq.s32 s10, $0x1;
	s10 =	sld [smem:$0x3FAD];
	_ =	sdelay $0x3  }
0x34: {  	[smem:$0x3FAD] =	sst s10  }
0x35: {  	s10 =	sld [smem:$0x3FAC];
	_ =	sdelay $0x3  }
0x36: {  	p1 =	seq.s32 s10, $0x1;
	s10 =	sld [smem:$0x3FAD];
	_ =	sdelay $0x3  }
0x37: {  	[smem:$0x3FAD] =	sst s10  }
0x38: {  	s10 =	sld [smem:$0x3FAE]  }
0x39: {  	_ = 	snop;
	(pc) =	sbr.ind lr, $3  }
0x3a: {  	_ = 	snop  }
0x3b: {  	_ = 	snop  }
0x3c: {  	p2 =	seq.s32 s10, $0x1;
	s10 =	sld [smem:$0x3FAD]  }
0x3d: {  	_ =	shalt  }
0x3e: {  	_ =	shalt  }
0x3f: {  	_ =	shalt  }
0x40: {  	_ =	shalt  }
0x41: {  	_ =	shalt  }
0x42: {  	_ =	shalt  }
0x43: {  	_ =	shalt  }
0x44: {  	_ =	shalt  }
0x45: {  	_ =	shalt  }
0x46: {  	_ =	shalt  }
0x47: {  	_ =	shalt  }
0x48: {  	_ =	shalt  }
0x49: {  	_ =	shalt  }
0x4a: {  	_ =	shalt  }
0x4b: {  	_ =	shalt  }
0x4c: {  	_ =	shalt  }
0x4d: {  	_ =	shalt  }
0x4e: {  	_ =	shalt  }
0x4f: {  	_ =	shalt  }
0x50: {  	_ =	shalt  }
0x51: {  	_ =	shalt  }
0x52: {  	_ =	shalt  }
0x53: {  	_ =	shalt  }
0x54: {  	_ =	shalt  }
0x55: {  	_ =	shalt  }
0x56: {  	_ =	shalt  }
0x57: {  	_ =	shalt  }
0x58: {  	_ =	shalt  }
0x59: {  	_ =	shalt  }
0x5a: {  	_ =	shalt  }
0x5b: {  	_ =	shalt  }
0x5c: {  	_ =	shalt  }
0x5d: {  	_ =	shalt  }
0x5e: {  	_ =	shalt  }
0x5f: {  	_ =	shalt  }
0x60: {  	_ =	shalt  }
0x61: {  	_ =	shalt  }
0x62: {  	_ =	shalt  }
0x63: {  	_ =	shalt  }
0x64: {  	_ =	shalt  }
0x65: {  	_ =	shalt  }
0x66: {  	_ =	shalt  }
0x67: {  	_ =	shalt  }
0x68: {  	_ =	shalt  }
0x69: {  	_ =	shalt  }
0x6a: {  	_ =	shalt  }
0x6b: {  	_ =	shalt  }
0x6c: {  	_ =	shalt  }
0x6d: {  	_ =	shalt  }
0x6e: {  	_ =	shalt  }
0x6f: {  	_ =	shalt  }
0x70: {  	_ =	shalt  }
0x71: {  	_ =	shalt  }
0x72: {  	_ =	shalt  }
0x73: {  	_ =	shalt  }
0x74: {  	_ =	shalt  }
0x75: {  	_ =	shalt  }
0x76: {  	_ =	shalt  }
0x77: {  	_ =	shalt  }
0x78: {  	_ =	shalt  }
0x79: {  	_ =	shalt  }
0x7a: {  	_ =	shalt  }
0x7b: {  	_ =	shalt  }
0x7c: {  	_ =	shalt  }
0x7d: {  	_ =	shalt  }
0x7e: {  	_ =	shalt  }
0x7f: {  	_ =	shalt  }
0x80: {  	_ =	shalt  }
0x81: {  	_ =	shalt  }
0x82: {  	_ =	shalt  }
0x83: {  	_ =	shalt  }
0x84: {  	_ =	shalt  }
0x85: {  	_ =	shalt  }
0x86: {  	_ =	shalt  }
0x87: {  	_ =	shalt  }
.Lfunc_end0:
.L_simem_size_0:
called_computation.2_lowered:
.L_overlay_start_0:
0x88: {  	s2 =	sld [smem:$0x3FD9]  }
0x89: {  	s3 =	sld [smem:$0x3FFE];
	_ =	sdelay $0x1  }
0x8a: {  	s1 =	srdreg.scid  }
0x8b: {  	s0 =	sand.u32 $0x1, s1  }
0x8c: {  	s17 =	sshll.u32 s0, $0xA;
	s2 =	sadd.s32 s3, s2  }
0x8d: {  	s2 =	sadd.s32 s2, s17  }
0x8e: {  	[smem:$0x3FB9] =	sst s2  }
0x8f: {  	_ = 	snop  }
0x90: {  	s2 =	sld [smem:$0x3FD0];
	(tm) =	ssettm $0x1  }
0x91: {  	s18 =	sld [smem:$0x3FFB];
	_ =	sdelay $0x3  }
0x92: {  	_ =	strace s18  }
0x93: {  	s3 =	sld [smem:$0x3FFC];
	_ =	sdelay $0x3  }
0x94: {  	_ =	strace s3  }
0x95: {  	s3 =	sld [smem:$0x3FFD];
	_ =	sdelay $0x3  }
0x96: {  	_ =	strace s3  }
0x97: {  	_ =	strace $0x8FFFFFFF  }
0x98: {  	s19 =	sld [smem:$0x3FDB];
	_ =	sdelay $0x1  }
0x99: {  	s4 =	simm.s32 $_scs_section_size  }
0x9a: {  	s5 =	simm.s32 $_size__tile_overlayer_lowered;
	s6 =	simm.s32 $_tile_overlayer_lowered  }
0x9b: {  	s22 =	simm.s32 $0x1BFF;
	s21 =	sshll.u32 s6, $0x1;
	s3 =	sadd.s32 s4, s19  }
0x9c: {  	s7 =	simm.s32 $0x0;
	s20 =	sshll.u32 s5, $0x1;
	s5 =	sadd.s32 s21, s3  }
0x9d: {  	[timem:s7], [sflag:s22] =	dma.local [hbm:s5], s20  }
0x9e: {  	_ =	swait.ge [sflag:s22], s20  }
0x9f: {  	s4 =	ssub.s32 $0x0, s20;
	[sflag:s22] =	ssyncset.done $0x0  }
0xa0: {  	[sflag:s22] =	ssyncadd.s32 s4;
	_ =	sdelay $0x1  }
0xa1: {  	s23 =	simm.s32 $0x1B8B  }
0xa2: {  	_ =	swait.ge [sflag:s23], $0x1  }
0xa3: {  	[sflag:s23] =	ssyncset.done $0x0  }
0xa4: {  	s25 =	simm.s32 $0x1B8E;
	s24 =	sld [smem:$0x3FFE];
	[sflag:s23] =	ssyncadd.s32 $0xFFFFFFFF  }
0xa5: {  	s26 =	simm.s32 $execute0_lowered;
	[smem:$0x3FD2] =	sst s25  }
0xa6: {  	s5 =	sshll.u32 s26, $0x1;
	_ =	strace $0x8000004C;
	[dreg:$0x1] =	wrdreg $0xFFFFFFFF  }
0xa7: {  	s28 =	simm.s32 $_size_execute0_lowered;
	s3 =	sadd.s32 s3, s5;
	[dreg:$0x0] =	wrdreg $0x0  }
0xa8: {  	s5 =	sshll.u32 s28, $0x1;
	[dreg:$0x2] =	wrdreg s3  }
0xa9: {  	[dreg:$0x3] =	wrdreg s5  }
0xaa: {  	[dreg:$0x4] =	wrdreg $0xC0  }
0xab: {  	_ =	task [dreg:s7], $0x5FFFF  }
0xac: {  	[dreg:$0x1] =	wrdreg $0xFFFFFFFF  }
0xad: {  	[dreg:$0x0] =	wrdreg $0x60  }
0xae: {  	[dreg:$0x2] =	wrdreg s2  }
0xaf: {  	[dreg:$0x3] =	wrdreg s24  }
0xb0: {  	[dreg:$0x4] =	wrdreg $0x90000  }
0xb1: {  	[dreg:$0x5] =	wrdreg $0x9  }
0xb2: {  	_ =	task.clear_ibuf [dreg:s7], $0x6FFFF;
	_ =	strace $0x9000004C  }
0xb3: {  	s29 =	simm.s32 $0x9;
	_ =	strace $0x8000004E  }
0xb4: {  	_ =	swait.ge [sflag:s29], $0x1  }
0xb5: {  	[sflag:s29] =	ssyncadd.s32 $0xFFFFFFFF  }
0xb6: {  	_ =	strace $0x9000004E  }
0xb7: {  	_ =	sfence  }
0xb8: {  	s30 =	sld [smem:$0x0];
	_ =	sdelay $0x2  }
0xb9: {  	s31 =	sshll.u32 s1, $0xD;
	s1 =	sshrl.u32 s1, $0x2  }
0xba: {  	s3 =	sand.u32 $0x4000, s31;
	s1 =	sadd.s32 s1, s30  }
0xbb: {  	s0 =	sor.u32 s3, s0;
	s1 =	sshll.u32 s1, $0x11  }
0xbc: {  	s0 =	sor.u32 s1, s0  }
0xbd: {  	s0 =	sadd.s32 $0x8F2B, s0  }
0xbe: {  	[sflag:s0] =	ssyncadd.remote.s32 $0x1  }
0xbf: {  	_ =	sfence.sel $0xFFFF  }
0xc0: {  	[dreg:$0x0] =	wrdreg $0xFFFFFFFF;
	(pc) =	sbr.abs _section_cstart, $3  }
0xc1: {  	[dreg:$0x1] =	wrdreg $0xFFFFFFFF  }
0xc2: {  	_ =	task.clear_ibuf [dreg:s7], $0x2FFFF;
	_ =	strace $0x9FFFFFFF  }
0xc3: {  	(tm) =	ssettm $0x7FFFFFFF  }
tec
execute0_lowered:
.L_overlay_start_1:
0x0: {  	(tag) =	ssettag $0x1  }
0x1: {  	s1 =	rddreg [dreg:$0x0]  }
0x2: {  	s6 =	rddreg [dreg:$0x1]  }
0x3: {  	s0 =	srdreg.scid;
	s3 =	rddreg [dreg:$0x2];
	s4 =	simm.s32 $0x0  }
0x4: {  	s14 =	simm.s32 $0x80;
	s5 =	sand.u32 $0x1, s0;
	s0 =	stileid.u32  }
0x5: {  	s15 =	simm.s32 $0x5000;
	s16 =	simm.s32 $0x1;
	s8 =	smul.u32 $0x13C00, s0  }
0x6: {  	s17 =	simm.s32 $0x0;
	[smem:$0x7FF] =	sst s4;
	s9 =	smul.u32 $0x13C000, s5  }
0x7: {  	s2 =	sshll.u32 s5, $0x4;
	s5 =	ssub.s32 $0x2, s5;
	s29 =	smul.u32 $0x4F000, s0  }
0x8: {  	s31 =	sshll.u32 s0, $0x6;
	s2 =	sor.u32 s0, s2;
	s11 =	sshrl.u32 s5, $0x1  }
0x9: {  	s7 =	smul.u32 $0x500, s2;
	s2 =	rddreg [dreg:$0x3];
	_ =	strace $0x8000004D  }
0xa: {  	s28 =	sshrl.u32 s8, $0x3;
	s8 =	sadd.s32 s8, s9;
	s30 =	sshrl.u32 s29, $0x2  }
0xb: {  	s11 =	ssub.s32 s5, s11;
	s8 =	sshrl.u32 s8, $0x3;
	s13 =	sadd.s32 s30, s3  }
0xc: {  	s10 =	sadd.s32 s7, s6;
	s7 =	sadd.s32 s28, s6;
	s12 =	sadd.s32 s8, s6  }
0xd: {  	s6 =	sor.u32 $0x1C02, s31;
	s5 =	sadd.s32 $0x17800, s7;
	s7 =	sadd.s32 $0xD800, s10  }
0xe: {  	s8 =	sadd.s32 $0x3800, s10;
	s9 =	sadd.s32 $0x3F000, s12;
	s10 =	smax.u32 s11, $0x1  }
0xf: {  	s11 =	sshrl.u32 s13, $0x3;
	s12 =	simm.s32 $0x2;
	s13 =	simm.s32 $0x2800  }
.LBB2_1:
0x10: {  	[spmem:s11], [sflag:s6] =	dma.local [hbm:s5], $0x2780  }
0x11: {  	_ =	swait.ge [sflag:s12], $0x2780  }
0x12: {  	[sflag:s12] =	ssyncset.done $0x0  }
0x13: {  	[sflag:s12] =	ssyncadd.s32 $0xFFFFD880  }
0x14: {  	[tilespmem:s4], [sflag:$0x2] =	stream.linear.gather [hbm4b:s7+s4], $0x2780, $0x38;
	[tilespmem:$0x1CC00] =	vst v63  }
0x15: {  	_ =	swait.ge [sflag:s12], $0x2780  }
0x16: {  	[sflag:s12] =	ssyncset.done $0x0  }
0x17: {  	[sflag:s12] =	ssyncadd.s32 $0xFFFFD880  }
0x18: {  	[tilespmem:s13], [sflag:$0x2] =	stream.linear.gather [hbm4b:s8+s4], $0x2780, $0x38;
	[tilespmem:$0x1CC00] =	vst v63  }
0x19: {  	_ =	swait.ge [sflag:s12], $0x2780  }
0x1a: {  	[sflag:s12] =	ssyncset.done $0x0  }
0x1b: {  	[sflag:s12] =	ssyncadd.s32 $0xFFFFD880  }
0x1c: {  	s18 =	simm.s32 $0x0;
	[bflag:$0x0] =	sbarrier.arrive $0xFFFF  }
0x1d: {  	[tilespmem:s15], [sflag:$0x1] =	stream.indirect.gather [hbm4b:s1+s14], $0x80, s18, s14, $0xb8;
	[tilespmem:$0x1CC00] =	vst v63  }
0x1e: {  	_ =	swait.ge [sflag:s16], $0x4000  }
0x1f: {  	[sflag:s16] =	ssyncset.done $0x0  }
0x20: {  	s31 =	simm.s32 $0x2800;
	[sflag:s16] =	ssyncadd.s32 $0xFFFFC000  }
0x21: {  	[spmem:s3] =	stream.indirect.scatter.add.f32 [tilespmem:s15], [sflag:$0x2], $0x80, s31, s14, $0xb8;
	[tilespmem:$0x1CC00] =	vst v63  }
0x22: {  	_ =	swait.ge [sflag:s12], $0x4000  }
0x23: {  	s19 =	simm.s32 $0x400;
	s18 =	simm.s32 $0x200;
	[sflag:s12] =	ssyncset.done $0x0  }
.LBB2_2:
0x24: {  	s20 =	sshra.s32 s18, $0x2  }
0x25: {  	[sflag:s12] =	ssyncadd.s32 $0xFFFFC000;
	s18 =	smov.u32 s19;
	s21 =	sadd.s32 $0x200, s19  }
0x26: {  	[tilespmem:s15], [sflag:$0x1] =	stream.indirect.gather [hbm4b:s1+s14], $0x80, s20, s14, $0xb8;
	[tilespmem:$0x1CC00] =	vst v63  }
0x27: {  	p0 =	sne.s32 s19, $0x9C00;
	_ =	swait.ge [sflag:s16], $0x4000  }
.Ltmp0:
0x28: {  	[sflag:s16] =	ssyncset.done $0x0;
	(pc) =	sbr.rel @p0 .LBB2_2-.Ltmp0, $4  }
0x29: {  	s19 =	sadd.s32 $0x2800, s20;
	[sflag:s16] =	ssyncadd.s32 $0xFFFFC000  }
0x2a: {  	[spmem:s3] =	stream.indirect.scatter.add.f32 [tilespmem:s15], [sflag:$0x2], $0x80, s19, s14, $0xb8;
	[tilespmem:$0x1CC00] =	vst v63  }
0x2b: {  	_ =	swait.ge [sflag:s12], $0x4000  }
0x2c: {  	s19 =	smov.u32 s21;
	[sflag:s12] =	ssyncset.done $0x0  }
0x2d: {  	s18 =	sshra.s32 s18, $0x2;
	[sflag:s12] =	ssyncadd.s32 $0xFFFFC000  }
0x2e: {  	[tilespmem:s15], [sflag:$0x1] =	stream.indirect.gather [hbm4b:s1+s14], $0x80, s18, s14, $0xb8;
	[tilespmem:$0x1CC00] =	vst v63  }
0x2f: {  	_ =	swait.ge [sflag:s16], $0x4000  }
0x30: {  	[sflag:s16] =	ssyncset.done $0x0  }
0x31: {  	s18 =	sadd.s32 $0x2800, s18;
	[sflag:s16] =	ssyncadd.s32 $0xFFFFC000  }
0x32: {  	[spmem:s3] =	stream.indirect.scatter.add.f32 [tilespmem:s15], [sflag:$0x2], $0x80, s18, s14, $0xb8;
	[tilespmem:$0x1CC00] =	vst v63  }
0x33: {  	_ =	swait.ge [sflag:s12], $0x4000  }
0x34: {  	s17 =	sadd.s32 $0x1, s17;
	[sflag:s12] =	ssyncset.done $0x0  }
0x35: {  	p0 =	sne.s32 s17, s10;
	[sflag:s12] =	ssyncadd.s32 $0xFFFFC000  }
.Ltmp1:
0x36: {  	[bflag:$0x0] =	sbarrier.arrive $0xFFFF;
	(pc) =	sbr.rel @p0 .LBB2_1-.Ltmp1, $4  }
0x37: {  	[hbm:s9], [sflag:s6] =	dma.local [spmem:s11], $0x2780  }
0x38: {  	_ =	swait.ge [sflag:s12], $0x2780  }
0x39: {  	[sflag:s12] =	ssyncset.done $0x0  }
0x3a: {  	[sflag:s12] =	ssyncadd.s32 $0xFFFFD880  }
0x3b: {  	_ =	sfence.sel $0x180000  }
0x3c: {  	[bflag:$0x0] =	sbarrier.arrive $0xFFFF  }
0x3d: {  	p0 =	sne.s32 s0, $0x0;
	_ =	strace $0x9000004D  }
0x3e: {  	s0 =	sadd.s32 @!p0 $0x100000, s2;
	[bflag:$0x2] =	sbarrier.arrive $0xFFFF  }
0x3f: {  	[sflag:s0] =	ssyncadd.tile.s32 @!p0 $0x1;
	_ =	shalt  }
.Lfunc_end2:
_tile_overlayer_lowered:
.L_overlay_start_2:
0x40: {  	(tag) =	ssettag $0x2  }
0x41: {  	s0 =	rddreg [dreg:$0x0];
	s2 =	stileid.u32  }
0x42: {  	s1 =	rddreg [dreg:$0x1];
	p0 =	sne.s32 s2, $0x0  }
0x43: {  	s3 =	rddreg [dreg:$0x2];
	[bflag:$0x3] =	sbarrier.arrive $0xFFFF;
	s2 =	simm.s32 @!p0 $0x1C02  }
0x44: {  	[timem:s3], [sflag:s2] =	dma.local @!p0 [hbm:s0], s1  }
0x45: {  	s0 =	simm.s32 @!p0 $0x2  }
0x46: {  	_ =	swait.ge @!p0 [sflag:s0], s1  }
0x47: {  	s1 =	ssub.s32 @!p0 $0x0, s1;
	[sflag:s0] =	ssyncset.done @!p0 $0x0  }
0x48: {  	[sflag:s0] =	ssyncadd.s32 @!p0 s1  }
0x49: {  	[bflag:$0x3] =	sbarrier.arrive $0xFFFF  }
0x4a: {  	_ =	shalt  }

// kernel: kernel.18.cloned.1.call-start
scs
__scs_entry_jumppad:
0x0: {  	(pc) =	sbr.rel $0x88, $3  }
0x1: {  	(tag) =	ssettag $0x0;
	lr =	simm.s32 $0x1  }
0x2: {  	[smem:$0x3F92] =	sst lr;
	_ =	strace $0xD0000000  }
0x3: {  	_ = 	snop  }
0x4: {  	_ = 	snop  }
0x5: {  	_ = 	snop  }
0x6: {  	_ = 	snop  }
0x7: {  	_ = 	snop  }
__scs_overlays_trampoline_lowered:
0x8: {  	[smem:$0x3FA1] =	sst s0  }
0x9: {  	[smem:$0x3FA2] =	sst s1  }
0xa: {  	[smem:$0x3FA3] =	sst s2  }
0xb: {  	[smem:$0x3FA4] =	sst s3  }
0xc: {  	[smem:$0x3FA5] =	sst s4  }
0xd: {  	[smem:$0x3FA6] =	sst s5  }
0xe: {  	[smem:$0x3FA7] =	sst s6  }
0xf: {  	[smem:$0x3FA8] =	sst s7  }
0x10: {  	[smem:$0x3FA9] =	sst s8  }
0x11: {  	[smem:$0x3FAA] =	sst s9;
	s0 =	simm.s32 @!p0 $0x0  }
0x12: {  	s1 =	sld [smem:$0x3F90];
	s0 =	simm.s32 @p0 $0x1  }
0x13: {  	[smem:$0x3FAB] =	sst s0;
	s0 =	simm.s32 @!p1 $0x0  }
0x14: {  	s2 =	sld [smem:$0x3F8F];
	s0 =	simm.s32 @p1 $0x1  }
0x15: {  	[smem:$0x3FAC] =	sst s0;
	s0 =	simm.s32 @!p2 $0x0  }
0x16: {  	s3 =	sld [smem:$0x3FDB];
	s0 =	simm.s32 @p2 $0x1  }
0x17: {  	s4 =	simm.s32 $0x1BF5;
	[smem:$0x3FAE] =	sst s0  }
0x18: {  	s0 =	sld [smem:$0x3F91];
	_ =	swait.ge [sflag:s4], $0x0  }
0x19: {  	s7 =	sld [smem:$0x3F92]  }
0x1a: {  	s8 =	sadd.s32 $0xFFFFE003, lr  }
0x1b: {  	s9 =	sadd.s32 $0xFFFFFEF7, lr;
	s5 =	simm.s32 $0xFFFFFFFF;
	p2 =	slt.u32 s8, $0xFFFFF086  }
0x1c: {  	p1 =	slt.u32 s9, $0xF7A;
	s5 =	simm.s32 @!p2 $0x0  }
0x1d: {  	s5 =	simm.s32 @p1 $0x1;
	p0 =	seq.s32 s7, s2  }
0x1e: {  	s7 =	smul.u32 @!p0 $0xF7A, s2;
	p2 =	seq.s32 @!p0 s5, $0x0  }
0x1f: {  	s9 =	smul.u32 $0xF7A, s1;
	s8 =	simm.s32 @!p0 $0x1BF5;
	p2 =	por !p2, p0  }
0x20: {  	[sflag:s8] =	ssyncset.s32 @!p0 $0xFFFFF086;
	s6 =	sadd.s32 @!p0 s3, s7;
	s7 =	simm.s32 @!p0 $0x108  }
0x21: {  	s3 =	sadd.s32 s3, s9;
	s6 =	sadd.s32 @!p0 $0x88, s6;
	s7 =	simm.s32 @p2 $0x1082  }
0x22: {  	[simem:s7], [sflag:s8] =	dma.local @!p0 [hbm:s6], $0xF7A  }
0x23: {  	s9 =	sor.u32 $0xD0000000, s2;
	s6 =	simm.s32 $0x108;
	_ =	swait.ge @!p0 [sflag:s8], $0x0  }
0x24: {  	s3 =	sadd.s32 $0x88, s3;
	s6 =	simm.s32 @!p1 $0x1082;
	[sflag:s4] =	ssyncset.s32 $0xFFFFF086  }
0x25: {  	[simem:s6], [sflag:s4] =	dma.local [hbm:s3], $0xF7A  }
0x26: {  	[smem:$0x3F92] =	sst s1;
	(tag) =	ssettag s2;
	_ =	strace s9  }
0x27: {  	s1 =	sld [smem:$0x3FA2]  }
0x28: {  	s2 =	sld [smem:$0x3FA3]  }
0x29: {  	s4 =	sld [smem:$0x3FA5]  }
0x2a: {  	p0 =	seq.s32 s5, $0x0;
	s5 =	sld [smem:$0x3FA6]  }
0x2b: {  	s6 =	sld [smem:$0x3FA7]  }
0x2c: {  	s7 =	sld [smem:$0x3FA8]  }
0x2d: {  	s3 =	simm.s32 $0x108;
	s8 =	sld [smem:$0x3FA9]  }
0x2e: {  	s3 =	simm.s32 @!p0 $0x1082;
	s9 =	sld [smem:$0x3FAA]  }
0x2f: {  	lr =	sadd.s32 s0, s3;
	s0 =	sld [smem:$0x3FA1]  }
0x30: {  	s3 =	sld [smem:$0x3FA4]  }
0x31: {  	[smem:$0x3FAD] =	sst s10  }
0x32: {  	s10 =	sld [smem:$0x3FAB];
	_ =	sdelay $0x3  }
0x33: {  	p0 =	seq.s32 s10, $0x1;
	s10 =	sld [smem:$0x3FAD];
	_ =	sdelay $0x3  }
0x34: {  	[smem:$0x3FAD] =	sst s10  }
0x35: {  	s10 =	sld [smem:$0x3FAC];
	_ =	sdelay $0x3  }
0x36: {  	p1 =	seq.s32 s10, $0x1;
	s10 =	sld [smem:$0x3FAD];
	_ =	sdelay $0x3  }
0x37: {  	[smem:$0x3FAD] =	sst s10  }
0x38: {  	s10 =	sld [smem:$0x3FAE]  }
0x39: {  	_ = 	snop;
	(pc) =	sbr.ind lr, $3  }
0x3a: {  	_ = 	snop  }
0x3b: {  	_ = 	snop  }
0x3c: {  	p2 =	seq.s32 s10, $0x1;
	s10 =	sld [smem:$0x3FAD]  }
0x3d: {  	_ =	shalt  }
0x3e: {  	_ =	shalt  }
0x3f: {  	_ =	shalt  }
0x40: {  	_ =	shalt  }
0x41: {  	_ =	shalt  }
0x42: {  	_ =	shalt  }
0x43: {  	_ =	shalt  }
0x44: {  	_ =	shalt  }
0x45: {  	_ =	shalt  }
0x46: {  	_ =	shalt  }
0x47: {  	_ =	shalt  }
0x48: {  	_ =	shalt  }
0x49: {  	_ =	shalt  }
0x4a: {  	_ =	shalt  }
0x4b: {  	_ =	shalt  }
0x4c: {  	_ =	shalt  }
0x4d: {  	_ =	shalt  }
0x4e: {  	_ =	shalt  }
0x4f: {  	_ =	shalt  }
0x50: {  	_ =	shalt  }
0x51: {  	_ =	shalt  }
0x52: {  	_ =	shalt  }
0x53: {  	_ =	shalt  }
0x54: {  	_ =	shalt  }
0x55: {  	_ =	shalt  }
0x56: {  	_ =	shalt  }
0x57: {  	_ =	shalt  }
0x58: {  	_ =	shalt  }
0x59: {  	_ =	shalt  }
0x5a: {  	_ =	shalt  }
0x5b: {  	_ =	shalt  }
0x5c: {  	_ =	shalt  }
0x5d: {  	_ =	shalt  }
0x5e: {  	_ =	shalt  }
0x5f: {  	_ =	shalt  }
0x60: {  	_ =	shalt  }
0x61: {  	_ =	shalt  }
0x62: {  	_ =	shalt  }
0x63: {  	_ =	shalt  }
0x64: {  	_ =	shalt  }
0x65: {  	_ =	shalt  }
0x66: {  	_ =	shalt  }
0x67: {  	_ =	shalt  }
0x68: {  	_ =	shalt  }
0x69: {  	_ =	shalt  }
0x6a: {  	_ =	shalt  }
0x6b: {  	_ =	shalt  }
0x6c: {  	_ =	shalt  }
0x6d: {  	_ =	shalt  }
0x6e: {  	_ =	shalt  }
0x6f: {  	_ =	shalt  }
0x70: {  	_ =	shalt  }
0x71: {  	_ =	shalt  }
0x72: {  	_ =	shalt  }
0x73: {  	_ =	shalt  }
0x74: {  	_ =	shalt  }
0x75: {  	_ =	shalt  }
0x76: {  	_ =	shalt  }
0x77: {  	_ =	shalt  }
0x78: {  	_ =	shalt  }
0x79: {  	_ =	shalt  }
0x7a: {  	_ =	shalt  }
0x7b: {  	_ =	shalt  }
0x7c: {  	_ =	shalt  }
0x7d: {  	_ =	shalt  }
0x7e: {  	_ =	shalt  }
0x7f: {  	_ =	shalt  }
0x80: {  	_ =	shalt  }
0x81: {  	_ =	shalt  }
0x82: {  	_ =	shalt  }
0x83: {  	_ =	shalt  }
0x84: {  	_ =	shalt  }
0x85: {  	_ =	shalt  }
0x86: {  	_ =	shalt  }
0x87: {  	_ =	shalt  }
.Lfunc_end0:
.L_simem_size_0:
called_computation.3_lowered:
.L_overlay_start_0:
0x88: {  	s2 =	sld [smem:$0x3FD9]  }
0x89: {  	s3 =	sld [smem:$0x3FFE];
	_ =	sdelay $0x1  }
0x8a: {  	s1 =	srdreg.scid  }
0x8b: {  	s0 =	sand.u32 $0x1, s1  }
0x8c: {  	s17 =	sshll.u32 s0, $0xA;
	s2 =	sadd.s32 s3, s2  }
0x8d: {  	s2 =	sadd.s32 s2, s17  }
0x8e: {  	[smem:$0x3FB9] =	sst s2  }
0x8f: {  	_ = 	snop  }
0x90: {  	s2 =	sld [smem:$0x3FD0];
	(tm) =	ssettm $0x1  }
0x91: {  	s18 =	sld [smem:$0x3FFB];
	_ =	sdelay $0x3  }
0x92: {  	_ =	strace s18  }
0x93: {  	s3 =	sld [smem:$0x3FFC];
	_ =	sdelay $0x3  }
0x94: {  	_ =	strace s3  }
0x95: {  	s3 =	sld [smem:$0x3FFD];
	_ =	sdelay $0x3  }
0x96: {  	_ =	strace s3  }
0x97: {  	_ =	strace $0x8FFFFFFF  }
0x98: {  	s19 =	sld [smem:$0x3FDB];
	_ =	sdelay $0x1  }
0x99: {  	s4 =	simm.s32 $_scs_section_size  }
0x9a: {  	s5 =	simm.s32 $_size__tile_overlayer_lowered;
	s6 =	simm.s32 $_tile_overlayer_lowered  }
0x9b: {  	s22 =	simm.s32 $0x1BFF;
	s21 =	sshll.u32 s6, $0x1;
	s3 =	sadd.s32 s4, s19  }
0x9c: {  	s7 =	simm.s32 $0x0;
	s20 =	sshll.u32 s5, $0x1;
	s5 =	sadd.s32 s21, s3  }
0x9d: {  	[timem:s7], [sflag:s22] =	dma.local [hbm:s5], s20  }
0x9e: {  	_ =	swait.ge [sflag:s22], s20  }
0x9f: {  	s4 =	ssub.s32 $0x0, s20;
	[sflag:s22] =	ssyncset.done $0x0  }
0xa0: {  	[sflag:s22] =	ssyncadd.s32 s4;
	_ =	sdelay $0x1  }
0xa1: {  	s23 =	simm.s32 $0x1B8B  }
0xa2: {  	_ =	swait.ge [sflag:s23], $0x1  }
0xa3: {  	[sflag:s23] =	ssyncset.done $0x0  }
0xa4: {  	s25 =	simm.s32 $0x1B8E;
	s24 =	sld [smem:$0x3FFE];
	[sflag:s23] =	ssyncadd.s32 $0xFFFFFFFF  }
0xa5: {  	s26 =	simm.s32 $execute0_lowered;
	[smem:$0x3FD2] =	sst s25  }
0xa6: {  	s5 =	sshll.u32 s26, $0x1;
	_ =	strace $0x8000004F;
	[dreg:$0x1] =	wrdreg $0xFFFFFFFF  }
0xa7: {  	s28 =	simm.s32 $_size_execute0_lowered;
	s3 =	sadd.s32 s3, s5;
	[dreg:$0x0] =	wrdreg $0x0  }
0xa8: {  	s5 =	sshll.u32 s28, $0x1;
	[dreg:$0x2] =	wrdreg s3  }
0xa9: {  	[dreg:$0x3] =	wrdreg s5  }
0xaa: {  	[dreg:$0x4] =	wrdreg $0xC0  }
0xab: {  	_ =	task [dreg:s7], $0x5FFFF  }
0xac: {  	[dreg:$0x1] =	wrdreg $0xFFFFFFFF  }
0xad: {  	[dreg:$0x0] =	wrdreg $0x60  }
0xae: {  	[dreg:$0x2] =	wrdreg s2  }
0xaf: {  	[dreg:$0x3] =	wrdreg s24  }
0xb0: {  	[dreg:$0x4] =	wrdreg $0x90000  }
0xb1: {  	[dreg:$0x5] =	wrdreg $0x9  }
0xb2: {  	_ =	task.clear_ibuf [dreg:s7], $0x6FFFF;
	_ =	strace $0x9000004F  }
0xb3: {  	s29 =	simm.s32 $0x9;
	_ =	strace $0x80000051  }
0xb4: {  	_ =	swait.ge [sflag:s29], $0x1  }
0xb5: {  	[sflag:s29] =	ssyncadd.s32 $0xFFFFFFFF  }
0xb6: {  	_ =	strace $0x90000051  }
0xb7: {  	_ =	sfence  }
0xb8: {  	s30 =	sld [smem:$0x0];
	_ =	sdelay $0x2  }
0xb9: {  	s31 =	sshll.u32 s1, $0xD;
	s1 =	sshrl.u32 s1, $0x2  }
0xba: {  	s3 =	sand.u32 $0x4000, s31;
	s1 =	sadd.s32 s1, s30  }
0xbb: {  	s0 =	sor.u32 s3, s0;
	s1 =	sshll.u32 s1, $0x11  }
0xbc: {  	s0 =	sor.u32 s1, s0  }
0xbd: {  	s0 =	sadd.s32 $0x8F2B, s0  }
0xbe: {  	[sflag:s0] =	ssyncadd.remote.s32 $0x1  }
0xbf: {  	_ =	sfence.sel $0xFFFF  }
0xc0: {  	[dreg:$0x0] =	wrdreg $0xFFFFFFFF;
	(pc) =	sbr.abs _section_cstart, $3  }
0xc1: {  	[dreg:$0x1] =	wrdreg $0xFFFFFFFF  }
0xc2: {  	_ =	task.clear_ibuf [dreg:s7], $0x2FFFF;
	_ =	strace $0x9FFFFFFF  }
0xc3: {  	(tm) =	ssettm $0x7FFFFFFF  }
tec
execute0_lowered:
.L_overlay_start_1:
0x0: {  	(tag) =	ssettag $0x1  }
0x1: {  	s1 =	rddreg [dreg:$0x0]  }
0x2: {  	s6 =	rddreg [dreg:$0x1]  }
0x3: {  	s0 =	srdreg.scid;
	s3 =	rddreg [dreg:$0x2];
	s4 =	simm.s32 $0x0  }
0x4: {  	s14 =	simm.s32 $0x80;
	s5 =	sand.u32 $0x1, s0;
	s0 =	stileid.u32  }
0x5: {  	s15 =	simm.s32 $0x5000;
	s16 =	simm.s32 $0x1;
	s8 =	smul.u32 $0x13C00, s0  }
0x6: {  	s17 =	simm.s32 $0x0;
	[smem:$0x7FF] =	sst s4;
	s9 =	smul.u32 $0x13C000, s5  }
0x7: {  	s2 =	sshll.u32 s5, $0x4;
	s5 =	ssub.s32 $0x2, s5;
	s29 =	smul.u32 $0x4F000, s0  }
0x8: {  	s31 =	sshll.u32 s0, $0x6;
	s2 =	sor.u32 s0, s2;
	s11 =	sshrl.u32 s5, $0x1  }
0x9: {  	s7 =	smul.u32 $0x500, s2;
	s2 =	rddreg [dreg:$0x3];
	_ =	strace $0x80000050  }
0xa: {  	s28 =	sshrl.u32 s8, $0x3;
	s8 =	sadd.s32 s8, s9;
	s30 =	sshrl.u32 s29, $0x2  }
0xb: {  	s11 =	ssub.s32 s5, s11;
	s8 =	sshrl.u32 s8, $0x3;
	s13 =	sadd.s32 s30, s3  }
0xc: {  	s10 =	sadd.s32 s7, s6;
	s7 =	sadd.s32 s28, s6;
	s12 =	sadd.s32 s8, s6  }
0xd: {  	s6 =	sor.u32 $0x1C02, s31;
	s5 =	sadd.s32 $0x17800, s7;
	s7 =	sadd.s32 $0xD800, s10  }
0xe: {  	s8 =	sadd.s32 $0x3800, s10;
	s9 =	sadd.s32 $0x3F000, s12;
	s10 =	smax.u32 s11, $0x1  }
0xf: {  	s11 =	sshrl.u32 s13, $0x3;
	s12 =	simm.s32 $0x2;
	s13 =	simm.s32 $0x2800  }
.LBB2_1:
0x10: {  	[spmem:s11], [sflag:s6] =	dma.local [hbm:s5], $0x2780  }
0x11: {  	_ =	swait.ge [sflag:s12], $0x2780  }
0x12: {  	[sflag:s12] =	ssyncset.done $0x0  }
0x13: {  	[sflag:s12] =	ssyncadd.s32 $0xFFFFD880  }
0x14: {  	[tilespmem:s4], [sflag:$0x2] =	stream.linear.gather [hbm4b:s7+s4], $0x2780, $0x38;
	[tilespmem:$0x1CC00] =	vst v63  }
0x15: {  	_ =	swait.ge [sflag:s12], $0x2780  }
0x16: {  	[sflag:s12] =	ssyncset.done $0x0  }
0x17: {  	[sflag:s12] =	ssyncadd.s32 $0xFFFFD880  }
0x18: {  	[tilespmem:s13], [sflag:$0x2] =	stream.linear.gather [hbm4b:s8+s4], $0x2780, $0x38;
	[tilespmem:$0x1CC00] =	vst v63  }
0x19: {  	_ =	swait.ge [sflag:s12], $0x2780  }
0x1a: {  	[sflag:s12] =	ssyncset.done $0x0  }
0x1b: {  	[sflag:s12] =	ssyncadd.s32 $0xFFFFD880  }
0x1c: {  	s18 =	simm.s32 $0x0;
	[bflag:$0x0] =	sbarrier.arrive $0xFFFF  }
0x1d: {  	[tilespmem:s15], [sflag:$0x1] =	stream.indirect.gather [hbm4b:s1+s14], $0x80, s18, s14, $0xb8;
	[tilespmem:$0x1CC00] =	vst v63  }
0x1e: {  	_ =	swait.ge [sflag:s16], $0x4000  }
0x1f: {  	[sflag:s16] =	ssyncset.done $0x0  }
0x20: {  	s31 =	simm.s32 $0x2800;
	[sflag:s16] =	ssyncadd.s32 $0xFFFFC000  }
0x21: {  	[spmem:s3] =	stream.indirect.scatter.add.f32 [tilespmem:s15], [sflag:$0x2], $0x80, s31, s14, $0xb8;
	[tilespmem:$0x1CC00] =	vst v63  }
0x22: {  	_ =	swait.ge [sflag:s12], $0x4000  }
0x23: {  	s19 =	simm.s32 $0x400;
	s18 =	simm.s32 $0x200;
	[sflag:s12] =	ssyncset.done $0x0  }
.LBB2_2:
0x24: {  	s20 =	sshra.s32 s18, $0x2  }
0x25: {  	[sflag:s12] =	ssyncadd.s32 $0xFFFFC000;
	s18 =	smov.u32 s19;
	s21 =	sadd.s32 $0x200, s19  }
0x26: {  	[tilespmem:s15], [sflag:$0x1] =	stream.indirect.gather [hbm4b:s1+s14], $0x80, s20, s14, $0xb8;
	[tilespmem:$0x1CC00] =	vst v63  }
0x27: {  	p0 =	sne.s32 s19, $0x9C00;
	_ =	swait.ge [sflag:s16], $0x4000  }
.Ltmp0:
0x28: {  	[sflag:s16] =	ssyncset.done $0x0;
	(pc) =	sbr.rel @p0 .LBB2_2-.Ltmp0, $4  }
0x29: {  	s19 =	sadd.s32 $0x2800, s20;
	[sflag:s16] =	ssyncadd.s32 $0xFFFFC000  }
0x2a: {  	[spmem:s3] =	stream.indirect.scatter.add.f32 [tilespmem:s15], [sflag:$0x2], $0x80, s19, s14, $0xb8;
	[tilespmem:$0x1CC00] =	vst v63  }
0x2b: {  	_ =	swait.ge [sflag:s12], $0x4000  }
0x2c: {  	s19 =	smov.u32 s21;
	[sflag:s12] =	ssyncset.done $0x0  }
0x2d: {  	s18 =	sshra.s32 s18, $0x2;
	[sflag:s12] =	ssyncadd.s32 $0xFFFFC000  }
0x2e: {  	[tilespmem:s15], [sflag:$0x1] =	stream.indirect.gather [hbm4b:s1+s14], $0x80, s18, s14, $0xb8;
	[tilespmem:$0x1CC00] =	vst v63  }
0x2f: {  	_ =	swait.ge [sflag:s16], $0x4000  }
0x30: {  	[sflag:s16] =	ssyncset.done $0x0  }
0x31: {  	s18 =	sadd.s32 $0x2800, s18;
	[sflag:s16] =	ssyncadd.s32 $0xFFFFC000  }
0x32: {  	[spmem:s3] =	stream.indirect.scatter.add.f32 [tilespmem:s15], [sflag:$0x2], $0x80, s18, s14, $0xb8;
	[tilespmem:$0x1CC00] =	vst v63  }
0x33: {  	_ =	swait.ge [sflag:s12], $0x4000  }
0x34: {  	s17 =	sadd.s32 $0x1, s17;
	[sflag:s12] =	ssyncset.done $0x0  }
0x35: {  	p0 =	sne.s32 s17, s10;
	[sflag:s12] =	ssyncadd.s32 $0xFFFFC000  }
.Ltmp1:
0x36: {  	[bflag:$0x0] =	sbarrier.arrive $0xFFFF;
	(pc) =	sbr.rel @p0 .LBB2_1-.Ltmp1, $4  }
0x37: {  	[hbm:s9], [sflag:s6] =	dma.local [spmem:s11], $0x2780  }
0x38: {  	_ =	swait.ge [sflag:s12], $0x2780  }
0x39: {  	[sflag:s12] =	ssyncset.done $0x0  }
0x3a: {  	[sflag:s12] =	ssyncadd.s32 $0xFFFFD880  }
0x3b: {  	_ =	sfence.sel $0x180000  }
0x3c: {  	[bflag:$0x0] =	sbarrier.arrive $0xFFFF  }
0x3d: {  	p0 =	sne.s32 s0, $0x0;
	_ =	strace $0x90000050  }
0x3e: {  	s0 =	sadd.s32 @!p0 $0x100000, s2;
	[bflag:$0x2] =	sbarrier.arrive $0xFFFF  }
0x3f: {  	[sflag:s0] =	ssyncadd.tile.s32 @!p0 $0x1;
	_ =	shalt  }
.Lfunc_end2:
_tile_overlayer_lowered:
.L_overlay_start_2:
0x40: {  	(tag) =	ssettag $0x2  }
0x41: {  	s0 =	rddreg [dreg:$0x0];
	s2 =	stileid.u32  }
0x42: {  	s1 =	rddreg [dreg:$0x1];
	p0 =	sne.s32 s2, $0x0  }
0x43: {  	s3 =	rddreg [dreg:$0x2];
	[bflag:$0x3] =	sbarrier.arrive $0xFFFF;
	s2 =	simm.s32 @!p0 $0x1C02  }
0x44: {  	[timem:s3], [sflag:s2] =	dma.local @!p0 [hbm:s0], s1  }
0x45: {  	s0 =	simm.s32 @!p0 $0x2  }
0x46: {  	_ =	swait.ge @!p0 [sflag:s0], s1  }
0x47: {  	s1 =	ssub.s32 @!p0 $0x0, s1;
	[sflag:s0] =	ssyncset.done @!p0 $0x0  }
0x48: {  	[sflag:s0] =	ssyncadd.s32 @!p0 s1  }
0x49: {  	[bflag:$0x3] =	sbarrier.arrive $0xFFFF  }
0x4a: {  	_ =	shalt  }

// kernel: kernel.9.cloned.1.call-start
scs
__scs_entry_jumppad:
0x0: {  	(pc) =	sbr.rel $0x88, $3  }
0x1: {  	(tag) =	ssettag $0x0;
	lr =	simm.s32 $0x1  }
0x2: {  	[smem:$0x3F92] =	sst lr;
	_ =	strace $0xD0000000  }
0x3: {  	_ = 	snop  }
0x4: {  	_ = 	snop  }
0x5: {  	_ = 	snop  }
0x6: {  	_ = 	snop  }
0x7: {  	_ = 	snop  }
__scs_overlays_trampoline_lowered:
0x8: {  	[smem:$0x3FA1] =	sst s0  }
0x9: {  	[smem:$0x3FA2] =	sst s1  }
0xa: {  	[smem:$0x3FA3] =	sst s2  }
0xb: {  	[smem:$0x3FA4] =	sst s3  }
0xc: {  	[smem:$0x3FA5] =	sst s4  }
0xd: {  	[smem:$0x3FA6] =	sst s5  }
0xe: {  	[smem:$0x3FA7] =	sst s6  }
0xf: {  	[smem:$0x3FA8] =	sst s7  }
0x10: {  	[smem:$0x3FA9] =	sst s8  }
0x11: {  	[smem:$0x3FAA] =	sst s9;
	s0 =	simm.s32 @!p0 $0x0  }
0x12: {  	s1 =	sld [smem:$0x3F90];
	s0 =	simm.s32 @p0 $0x1  }
0x13: {  	[smem:$0x3FAB] =	sst s0;
	s0 =	simm.s32 @!p1 $0x0  }
0x14: {  	s2 =	sld [smem:$0x3F8F];
	s0 =	simm.s32 @p1 $0x1  }
0x15: {  	[smem:$0x3FAC] =	sst s0;
	s0 =	simm.s32 @!p2 $0x0  }
0x16: {  	s3 =	sld [smem:$0x3FDB];
	s0 =	simm.s32 @p2 $0x1  }
0x17: {  	s4 =	simm.s32 $0x1BF5;
	[smem:$0x3FAE] =	sst s0  }
0x18: {  	s0 =	sld [smem:$0x3F91];
	_ =	swait.ge [sflag:s4], $0x0  }
0x19: {  	s7 =	sld [smem:$0x3F92]  }
0x1a: {  	s8 =	sadd.s32 $0xFFFFE003, lr  }
0x1b: {  	s9 =	sadd.s32 $0xFFFFFEF7, lr;
	s5 =	simm.s32 $0xFFFFFFFF;
	p2 =	slt.u32 s8, $0xFFFFF086  }
0x1c: {  	p1 =	slt.u32 s9, $0xF7A;
	s5 =	simm.s32 @!p2 $0x0  }
0x1d: {  	s5 =	simm.s32 @p1 $0x1;
	p0 =	seq.s32 s7, s2  }
0x1e: {  	s7 =	smul.u32 @!p0 $0xF7A, s2;
	p2 =	seq.s32 @!p0 s5, $0x0  }
0x1f: {  	s9 =	smul.u32 $0xF7A, s1;
	s8 =	simm.s32 @!p0 $0x1BF5;
	p2 =	por !p2, p0  }
0x20: {  	[sflag:s8] =	ssyncset.s32 @!p0 $0xFFFFF086;
	s6 =	sadd.s32 @!p0 s3, s7;
	s7 =	simm.s32 @!p0 $0x108  }
0x21: {  	s3 =	sadd.s32 s3, s9;
	s6 =	sadd.s32 @!p0 $0x88, s6;
	s7 =	simm.s32 @p2 $0x1082  }
0x22: {  	[simem:s7], [sflag:s8] =	dma.local @!p0 [hbm:s6], $0xF7A  }
0x23: {  	s9 =	sor.u32 $0xD0000000, s2;
	s6 =	simm.s32 $0x108;
	_ =	swait.ge @!p0 [sflag:s8], $0x0  }
0x24: {  	s3 =	sadd.s32 $0x88, s3;
	s6 =	simm.s32 @!p1 $0x1082;
	[sflag:s4] =	ssyncset.s32 $0xFFFFF086  }
0x25: {  	[simem:s6], [sflag:s4] =	dma.local [hbm:s3], $0xF7A  }
0x26: {  	[smem:$0x3F92] =	sst s1;
	(tag) =	ssettag s2;
	_ =	strace s9  }
0x27: {  	s1 =	sld [smem:$0x3FA2]  }
0x28: {  	s2 =	sld [smem:$0x3FA3]  }
0x29: {  	s4 =	sld [smem:$0x3FA5]  }
0x2a: {  	p0 =	seq.s32 s5, $0x0;
	s5 =	sld [smem:$0x3FA6]  }
0x2b: {  	s6 =	sld [smem:$0x3FA7]  }
0x2c: {  	s7 =	sld [smem:$0x3FA8]  }
0x2d: {  	s3 =	simm.s32 $0x108;
	s8 =	sld [smem:$0x3FA9]  }
0x2e: {  	s3 =	simm.s32 @!p0 $0x1082;
	s9 =	sld [smem:$0x3FAA]  }
0x2f: {  	lr =	sadd.s32 s0, s3;
	s0 =	sld [smem:$0x3FA1]  }
0x30: {  	s3 =	sld [smem:$0x3FA4]  }
0x31: {  	[smem:$0x3FAD] =	sst s10  }
0x32: {  	s10 =	sld [smem:$0x3FAB];
	_ =	sdelay $0x3  }
0x33: {  	p0 =	seq.s32 s10, $0x1;
	s10 =	sld [smem:$0x3FAD];
	_ =	sdelay $0x3  }
0x34: {  	[smem:$0x3FAD] =	sst s10  }
0x35: {  	s10 =	sld [smem:$0x3FAC];
	_ =	sdelay $0x3  }
0x36: {  	p1 =	seq.s32 s10, $0x1;
	s10 =	sld [smem:$0x3FAD];
	_ =	sdelay $0x3  }
0x37: {  	[smem:$0x3FAD] =	sst s10  }
0x38: {  	s10 =	sld [smem:$0x3FAE]  }
0x39: {  	_ = 	snop;
	(pc) =	sbr.ind lr, $3  }
0x3a: {  	_ = 	snop  }
0x3b: {  	_ = 	snop  }
0x3c: {  	p2 =	seq.s32 s10, $0x1;
	s10 =	sld [smem:$0x3FAD]  }
0x3d: {  	_ =	shalt  }
0x3e: {  	_ =	shalt  }
0x3f: {  	_ =	shalt  }
0x40: {  	_ =	shalt  }
0x41: {  	_ =	shalt  }
0x42: {  	_ =	shalt  }
0x43: {  	_ =	shalt  }
0x44: {  	_ =	shalt  }
0x45: {  	_ =	shalt  }
0x46: {  	_ =	shalt  }
0x47: {  	_ =	shalt  }
0x48: {  	_ =	shalt  }
0x49: {  	_ =	shalt  }
0x4a: {  	_ =	shalt  }
0x4b: {  	_ =	shalt  }
0x4c: {  	_ =	shalt  }
0x4d: {  	_ =	shalt  }
0x4e: {  	_ =	shalt  }
0x4f: {  	_ =	shalt  }
0x50: {  	_ =	shalt  }
0x51: {  	_ =	shalt  }
0x52: {  	_ =	shalt  }
0x53: {  	_ =	shalt  }
0x54: {  	_ =	shalt  }
0x55: {  	_ =	shalt  }
0x56: {  	_ =	shalt  }
0x57: {  	_ =	shalt  }
0x58: {  	_ =	shalt  }
0x59: {  	_ =	shalt  }
0x5a: {  	_ =	shalt  }
0x5b: {  	_ =	shalt  }
0x5c: {  	_ =	shalt  }
0x5d: {  	_ =	shalt  }
0x5e: {  	_ =	shalt  }
0x5f: {  	_ =	shalt  }
0x60: {  	_ =	shalt  }
0x61: {  	_ =	shalt  }
0x62: {  	_ =	shalt  }
0x63: {  	_ =	shalt  }
0x64: {  	_ =	shalt  }
0x65: {  	_ =	shalt  }
0x66: {  	_ =	shalt  }
0x67: {  	_ =	shalt  }
0x68: {  	_ =	shalt  }
0x69: {  	_ =	shalt  }
0x6a: {  	_ =	shalt  }
0x6b: {  	_ =	shalt  }
0x6c: {  	_ =	shalt  }
0x6d: {  	_ =	shalt  }
0x6e: {  	_ =	shalt  }
0x6f: {  	_ =	shalt  }
0x70: {  	_ =	shalt  }
0x71: {  	_ =	shalt  }
0x72: {  	_ =	shalt  }
0x73: {  	_ =	shalt  }
0x74: {  	_ =	shalt  }
0x75: {  	_ =	shalt  }
0x76: {  	_ =	shalt  }
0x77: {  	_ =	shalt  }
0x78: {  	_ =	shalt  }
0x79: {  	_ =	shalt  }
0x7a: {  	_ =	shalt  }
0x7b: {  	_ =	shalt  }
0x7c: {  	_ =	shalt  }
0x7d: {  	_ =	shalt  }
0x7e: {  	_ =	shalt  }
0x7f: {  	_ =	shalt  }
0x80: {  	_ =	shalt  }
0x81: {  	_ =	shalt  }
0x82: {  	_ =	shalt  }
0x83: {  	_ =	shalt  }
0x84: {  	_ =	shalt  }
0x85: {  	_ =	shalt  }
0x86: {  	_ =	shalt  }
0x87: {  	_ =	shalt  }
.Lfunc_end0:
.L_simem_size_0:
called_computation_lowered:
.L_overlay_start_0:
0x88: {  	s2 =	sld [smem:$0x3FD9]  }
0x89: {  	s3 =	sld [smem:$0x3FFE];
	_ =	sdelay $0x1  }
0x8a: {  	s1 =	srdreg.scid  }
0x8b: {  	s0 =	sand.u32 $0x1, s1  }
0x8c: {  	s17 =	sshll.u32 s0, $0xA;
	s2 =	sadd.s32 s3, s2  }
0x8d: {  	s2 =	sadd.s32 s2, s17  }
0x8e: {  	[smem:$0x3FB9] =	sst s2  }
0x8f: {  	_ = 	snop  }
0x90: {  	s18 =	sld [smem:$0x3FD0];
	(tm) =	ssettm $0x1  }
0x91: {  	s19 =	sld [smem:$0x3FFB];
	_ =	sdelay $0x3  }
0x92: {  	_ =	strace s19  }
0x93: {  	s2 =	sld [smem:$0x3FFC];
	_ =	sdelay $0x3  }
0x94: {  	_ =	strace s2  }
0x95: {  	s2 =	sld [smem:$0x3FFD];
	_ =	sdelay $0x3  }
0x96: {  	_ =	strace s2  }
0x97: {  	_ =	strace $0x8FFFFFFF  }
0x98: {  	s20 =	sld [smem:$0x3FDB];
	_ =	sdelay $0x1  }
0x99: {  	s4 =	simm.s32 $_scs_section_size  }
0x9a: {  	s5 =	simm.s32 $_size__tile_overlayer_lowered;
	s6 =	simm.s32 $_tile_overlayer_lowered  }
0x9b: {  	s7 =	simm.s32 $0x1BFF;
	s21 =	sshll.u32 s6, $0x1;
	s4 =	sadd.s32 s4, s20  }
0x9c: {  	s22 =	simm.s32 $0x0;
	s5 =	sshll.u32 s5, $0x1;
	s6 =	sadd.s32 s21, s4  }
0x9d: {  	[timem:s22], [sflag:s7] =	dma.local [hbm:s6], s5  }
0x9e: {  	_ =	swait.ge [sflag:s7], s5  }
0x9f: {  	s5 =	ssub.s32 $0x0, s5;
	[sflag:s7] =	ssyncset.done $0x0  }
0xa0: {  	[sflag:s7] =	ssyncadd.s32 s5;
	_ =	sdelay $0x1  }
0xa1: {  	s23 =	simm.s32 $0x1B8B  }
0xa2: {  	_ =	swait.ge [sflag:s23], $0x1  }
0xa3: {  	[sflag:s23] =	ssyncset.done $0x0  }
0xa4: {  	[sflag:s23] =	ssyncadd.s32 $0xFFFFFFFF  }
0xa5: {  	s5 =	sld [smem:$0x0]  }
0xa6: {  	s6 =	sand.u32 $0xFFFFFFFE, s1  }
0xa7: {  	p0 =	sne.s32 s1, s6  }
0xa8: {  	s6 =	sshll.u32 @p0 s6, $0xE  }
0xa9: {  	s6 =	sadd.s32 @p0 $0x11B8D, s6;
	s7 =	sshll.u32 @p0 s5, $0x11  }
0xaa: {  	s6 =	sor.u32 @p0 s7, s6  }
0xab: {  	[sflag:s6] =	ssyncadd.remote.s32 @p0 $0x1;
	_ =	sdelay $0x1  }
0xac: {  	s6 =	simm.s32 @p0 $0x1B8D  }
0xad: {  	_ =	swait.eq @p0 [sflag:s6], $0x1  }
0xae: {  	[sflag:s6] =	ssyncadd.s32 @p0 $0xFFFFFFFF  }
0xaf: {  	s7 =	sshll.u32 @!p0 s1, $0xE  }
0xb0: {  	s7 =	sor.u32 @!p0 $0x4000, s7;
	s6 =	simm.s32 @!p0 $0x1B8D  }
0xb1: {  	s5 =	sshll.u32 @!p0 s5, $0x11;
	s7 =	sadd.s32 @!p0 $0x11B8D, s7;
	_ =	swait.eq @!p0 [sflag:s6], $0x1  }
0xb2: {  	s5 =	sor.u32 @!p0 s5, s7;
	[sflag:s6] =	ssyncadd.s32 @!p0 $0xFFFFFFFF  }
0xb3: {  	s25 =	simm.s32 $0x1B8E;
	s24 =	sld [smem:$0x3FFE];
	[sflag:s5] =	ssyncadd.remote.s32 @!p0 $0x1  }
0xb4: {  	s26 =	simm.s32 $execute0_lowered;
	[smem:$0x3FD2] =	sst s25  }
0xb5: {  	s6 =	sshll.u32 s26, $0x1;
	_ =	strace $0x80000049;
	[dreg:$0x1] =	wrdreg $0xFFFFFFFF  }
0xb6: {  	s28 =	simm.s32 $_size_execute0_lowered;
	s4 =	sadd.s32 s4, s6;
	[dreg:$0x0] =	wrdreg $0x0  }
0xb7: {  	s6 =	sshll.u32 s28, $0x1;
	[dreg:$0x2] =	wrdreg s4  }
0xb8: {  	[dreg:$0x3] =	wrdreg s6  }
0xb9: {  	[dreg:$0x4] =	wrdreg $0xC0  }
0xba: {  	_ =	task [dreg:s22], $0x5FFFF  }
0xbb: {  	[dreg:$0x1] =	wrdreg $0xFFFFFFFF  }
0xbc: {  	[dreg:$0x0] =	wrdreg $0x60  }
0xbd: {  	[dreg:$0x2] =	wrdreg s24  }
0xbe: {  	[dreg:$0x3] =	wrdreg s18  }
0xbf: {  	[dreg:$0x4] =	wrdreg $0x68000  }
0xc0: {  	[dreg:$0x5] =	wrdreg $0x9  }
0xc1: {  	_ =	task.clear_ibuf [dreg:s22], $0x6FFFF;
	_ =	strace $0x90000049  }
0xc2: {  	s29 =	simm.s32 $0x9;
	_ =	strace $0x8000004B  }
0xc3: {  	_ =	swait.ge [sflag:s29], $0x1  }
0xc4: {  	[sflag:s29] =	ssyncadd.s32 $0xFFFFFFFF  }
0xc5: {  	_ =	strace $0x9000004B  }
0xc6: {  	_ =	sfence  }
0xc7: {  	s30 =	sld [smem:$0x0];
	_ =	sdelay $0x2  }
0xc8: {  	s31 =	sshll.u32 s1, $0xD;
	s1 =	sshrl.u32 s1, $0x2  }
0xc9: {  	s4 =	sand.u32 $0x4000, s31;
	s1 =	sadd.s32 s1, s30  }
0xca: {  	s0 =	sor.u32 s4, s0;
	s1 =	sshll.u32 s1, $0x11  }
0xcb: {  	s0 =	sor.u32 s1, s0  }
0xcc: {  	s0 =	sadd.s32 $0x8F2B, s0  }
0xcd: {  	[sflag:s0] =	ssyncadd.remote.s32 $0x1  }
0xce: {  	_ =	sfence.sel $0xFFFF  }
0xcf: {  	[dreg:$0x0] =	wrdreg $0xFFFFFFFF;
	(pc) =	sbr.abs _section_cstart, $3  }
0xd0: {  	[dreg:$0x1] =	wrdreg $0xFFFFFFFF  }
0xd1: {  	_ =	task.clear_ibuf [dreg:s22], $0x2FFFF;
	_ =	strace $0x9FFFFFFF  }
0xd2: {  	(tm) =	ssettm $0x7FFFFFFF  }
0xd3: {  	_ =	shalt  }
tec
execute0_lowered:
.L_overlay_start_1:
0x0: {  	(tag) =	ssettag $0x1  }
0x1: {  	s6 =	rddreg [dreg:$0x0]  }
0x2: {  	s2 =	rddreg [dreg:$0x1]  }
0x3: {  	s0 =	srdreg.scid;
	s3 =	rddreg [dreg:$0x2];
	s4 =	simm.s32 $0x0  }
0x4: {  	s13 =	simm.s32 $0x80;
	s5 =	sand.u32 $0x1, s0;
	s0 =	stileid.u32  }
0x5: {  	s14 =	simm.s32 $0x0;
	[smem:$0x7FF] =	sst s4;
	s8 =	smul.u32 $0x13C00, s0  }
0x6: {  	s1 =	sshll.u32 s5, $0x4;
	s9 =	smul.u32 $0x13C000, s5;
	s5 =	ssub.s32 $0x2, s5  }
0x7: {  	s29 =	smul.u32 $0x4F000, s0;
	s31 =	sshll.u32 s0, $0x6;
	s1 =	sor.u32 s0, s1  }
0x8: {  	s11 =	sshrl.u32 s5, $0x1;
	s7 =	smul.u32 $0x500, s1;
	s1 =	rddreg [dreg:$0x3]  }
0x9: {  	_ =	strace $0x8000004A;
	s10 =	sshrl.u32 s8, $0x3;
	s8 =	sadd.s32 s8, s9  }
0xa: {  	s11 =	ssub.s32 s5, s11;
	s30 =	sshrl.u32 s29, $0x2;
	s10 =	sadd.s32 s10, s6  }
0xb: {  	s8 =	sshrl.u32 s8, $0x3;
	s12 =	sadd.s32 s30, s3;
	s9 =	smax.u32 s11, $0x1  }
0xc: {  	s11 =	simm.s32 $0x1;
	s7 =	sadd.s32 s7, s6;
	s8 =	sadd.s32 s8, s6  }
0xd: {  	s5 =	sadd.s32 $0x17800, s10;
	s6 =	sor.u32 $0x1C01, s31;
	s10 =	sshrl.u32 s12, $0x3  }
0xe: {  	s12 =	simm.s32 $0x2800;
	s7 =	sadd.s32 $0x3800, s7;
	s8 =	sadd.s32 $0x8E000, s8  }
.LBB2_1:
0xf: {  	[spmem:s10], [sflag:s6] =	dma.local [hbm:s5], $0x2780  }
0x10: {  	_ =	swait.ge [sflag:s11], $0x2780  }
0x11: {  	[sflag:s11] =	ssyncset.done $0x0  }
0x12: {  	[sflag:s11] =	ssyncadd.s32 $0xFFFFD880  }
0x13: {  	[tilespmem:s12], [sflag:$0x1] =	stream.linear.gather [hbm4b:s2+s4], $0x4000, $0x38;
	[tilespmem:$0x1A400] =	vst v63  }
0x14: {  	_ =	swait.ge [sflag:s11], $0x4000  }
0x15: {  	[sflag:s11] =	ssyncset.done $0x0  }
0x16: {  	[sflag:s11] =	ssyncadd.s32 $0xFFFFC000  }
0x17: {  	[tilespmem:s4], [sflag:$0x1] =	stream.linear.gather [hbm4b:s7+s4], $0x2780, $0x38;
	[tilespmem:$0x1A400] =	vst v63  }
0x18: {  	_ =	swait.ge [sflag:s11], $0x2780  }
0x19: {  	[sflag:s11] =	ssyncset.done $0x0  }
0x1a: {  	[sflag:s11] =	ssyncadd.s32 $0xFFFFD880  }
0x1b: {  	s15 =	simm.s32 $0x0;
	[bflag:$0x0] =	sbarrier.arrive $0xFFFF  }
0x1c: {  	[spmem:s3] =	stream.indirect.scatter.add.f32 [tilespmem:s12], [sflag:$0x1], $0x80, s15, s13, $0xb8;
	[tilespmem:$0x1A400] =	vst v63  }
0x1d: {  	_ =	swait.ge [sflag:s11], $0x4000  }
0x1e: {  	s15 =	simm.s32 $0x200;
	[sflag:s11] =	ssyncset.done $0x0  }
.LBB2_2:
0x1f: {  	s16 =	sshra.s32 s15, $0x2;
	[sflag:s11] =	ssyncadd.s32 $0xFFFFC000;
	p0 =	sne.s32 s15, $0x9C00  }
0x20: {  	[spmem:s3] =	stream.indirect.scatter.add.f32 [tilespmem:s12], [sflag:$0x1], $0x80, s16, s13, $0xb8;
	[tilespmem:$0x1A400] =	vst v63  }
.Ltmp0:
0x21: {  	_ = 	snop;
	(pc) =	sbr.rel @p0 .LBB2_2-.Ltmp0, $4  }
0x22: {  	_ = 	snop  }
0x23: {  	s15 =	sadd.s32 $0x200, s15  }
0x24: {  	_ =	swait.ge [sflag:s11], $0x4000  }
0x25: {  	[sflag:s11] =	ssyncset.done $0x0  }
0x26: {  	s14 =	sadd.s32 $0x1, s14  }
0x27: {  	[sflag:s11] =	ssyncadd.s32 $0xFFFFC000;
	p0 =	sne.s32 s14, s9  }
.Ltmp1:
0x28: {  	[bflag:$0x0] =	sbarrier.arrive $0xFFFF;
	(pc) =	sbr.rel @p0 .LBB2_1-.Ltmp1, $4  }
0x29: {  	[hbm:s8], [sflag:s6] =	dma.local [spmem:s10], $0x2780  }
0x2a: {  	_ =	swait.ge [sflag:s11], $0x2780  }
0x2b: {  	[sflag:s11] =	ssyncset.done $0x0  }
0x2c: {  	[sflag:s11] =	ssyncadd.s32 $0xFFFFD880  }
0x2d: {  	_ =	sfence.sel $0x180000  }
0x2e: {  	[bflag:$0x0] =	sbarrier.arrive $0xFFFF  }
0x2f: {  	p0 =	sne.s32 s0, $0x0;
	_ =	strace $0x9000004A  }
0x30: {  	s0 =	sadd.s32 @!p0 $0x100000, s1;
	[bflag:$0x2] =	sbarrier.arrive $0xFFFF  }
0x31: {  	[sflag:s0] =	ssyncadd.tile.s32 @!p0 $0x1;
	_ =	shalt  }
.Lfunc_end2:
_tile_overlayer_lowered:
.L_overlay_start_2:
0x32: {  	(tag) =	ssettag $0x2  }
0x33: {  	s0 =	rddreg [dreg:$0x0];
	s2 =	stileid.u32  }
0x34: {  	s1 =	rddreg [dreg:$0x1];
	p0 =	sne.s32 s2, $0x0  }
0x35: {  	s3 =	rddreg [dreg:$0x2];
	[bflag:$0x3] =	sbarrier.arrive $0xFFFF;
	s2 =	simm.s32 @!p0 $0x1C01  }
0x36: {  	[timem:s3], [sflag:s2] =	dma.local @!p0 [hbm:s0], s1  }
0x37: {  	s0 =	simm.s32 @!p0 $0x1  }
0x38: {  	_ =	swait.ge @!p0 [sflag:s0], s1  }
0x39: {  	s1 =	ssub.s32 @!p0 $0x0, s1;
	[sflag:s0] =	ssyncset.done @!p0 $0x0  }
0x3a: {  	[sflag:s0] =	ssyncadd.s32 @!p0 s1  }
0x3b: {  	[bflag:$0x3] =	sbarrier.arrive $0xFFFF  }
0x3c: {  	_ =	shalt  }

</sc_bundles>
